<compile_context>
chip_gen: v7x
topology: tpu7x:2x2x1
jax: 0.10.2.dev20260603
libtpu: 0.0.44.dev20260713+nightly
codegen_flags: <defaults>
</compile_context>

<pallas_src>
import functools

import jax
import jax.numpy as jnp
from jax import lax
from jax.experimental import pallas as pl
from jax.experimental.pallas import tpu as pltpu
from jax.experimental.pallas import tpu_sc as plsc

NC = 2
NS = 16
NW = NC * NS
CH = 128


def _silu(x):
    return x * jax.nn.sigmoid(x)


def _node_proj_body(h_ref, w1r_ref, w1c_ref, pr_ref, pc_ref):
    h = h_ref[...]
    pr_ref[...] = jnp.dot(h, w1r_ref[...], preferred_element_type=jnp.float32)
    pc_ref[...] = jnp.dot(h, w1c_ref[...], preferred_element_type=jnp.float32)


def _make_gather(e_pad, n_nodes, d):
    n_chunks = e_pad // CH
    per_w = n_chunks // NW
    mesh = plsc.VectorSubcoreMesh(core_axis_name="c", subcore_axis_name="s")

    @functools.partial(
        pl.kernel,
        out_type=[
            jax.ShapeDtypeStruct((e_pad, d), jnp.float32),
            jax.ShapeDtypeStruct((e_pad, d), jnp.float32),
        ],
        mesh=mesh,
        scratch_types=[
            pltpu.VMEM((per_w, CH), jnp.int32),
            pltpu.VMEM((per_w, CH), jnp.int32),
            pltpu.VMEM((CH, d), jnp.float32),
            pltpu.VMEM((CH, d), jnp.float32),
            pltpu.SemaphoreType.DMA,
            pltpu.SemaphoreType.DMA,
        ],
    )
    def gather(pr_hbm, pc_hbm, rowi_hbm, coli_hbm, gr_hbm, gc_hbm,
               rowi_v, coli_v, bufr, bufc, semr, semc):
        c = lax.axis_index("c")
        s = lax.axis_index("s")
        wid = s * NC + c
        base = wid * per_w
        pltpu.sync_copy(rowi_hbm.at[pl.ds(base, per_w)], rowi_v)
        pltpu.sync_copy(coli_hbm.at[pl.ds(base, per_w)], coli_v)

        def body(j, carry):
            e0 = (base + j) * CH
            cpr = pltpu.async_copy(pr_hbm.at[rowi_v.at[j]], bufr, semr)
            cpc = pltpu.async_copy(pc_hbm.at[coli_v.at[j]], bufc, semc)
            cpr.wait()
            cpc.wait()
            pltpu.sync_copy(bufr, gr_hbm.at[pl.ds(e0, CH)])
            pltpu.sync_copy(bufc, gc_hbm.at[pl.ds(e0, CH)])
            return carry

        lax.fori_loop(0, per_w, body, 0)

    return gather


def _edge_mlp_body(gr_ref, gc_ref, ea_ref, mask_ref, w1e_ref, b1_ref,
                   w2_ref, b2_ref, wa_ref, ba_ref, out_ref):
    x = (gr_ref[...] + gc_ref[...]
         + jnp.dot(ea_ref[...], w1e_ref[...], preferred_element_type=jnp.float32)
         + b1_ref[...])
    m1 = _silu(x)
    y = jnp.dot(m1, w2_ref[...], preferred_element_type=jnp.float32) + b2_ref[...]
    m2 = _silu(y)
    att = jax.nn.sigmoid(
        jnp.dot(m2, wa_ref[...], preferred_element_type=jnp.float32) + ba_ref[...])
    out_ref[...] = m2 * (att * mask_ref[...])


def _make_scatter(e_pad, n_pad, d):
    n_chunks = e_pad // CH
    per_w = n_chunks // NW
    stripe = n_pad // NS
    mesh = plsc.VectorSubcoreMesh(core_axis_name="c", subcore_axis_name="s")

    @functools.partial(
        pl.kernel,
        out_type=jax.ShapeDtypeStruct((NC * n_pad, d), jnp.float32),
        mesh=mesh,
        scratch_types=[
            pltpu.VMEM((per_w, CH), jnp.int32),
            pltpu.VMEM((CH, d), jnp.float32),
            pltpu.VMEM_SHARED((n_pad, d), jnp.float32),
            pltpu.SemaphoreType.DMA,
        ],
    )
    def scatter(m_hbm, rowi_hbm, zero_hbm, out_hbm,
                rowi_v, mbuf, acc_sh, sem):
        c = lax.axis_index("c")
        s = lax.axis_index("s")
        wid = s * NC + c
        base = wid * per_w
        pltpu.sync_copy(zero_hbm, acc_sh.at[pl.ds(s * stripe, stripe)])
        plsc.subcore_barrier()
        pltpu.sync_copy(rowi_hbm.at[pl.ds(base, per_w)], rowi_v)

        def body(j, carry):
            e0 = (base + j) * CH
            pltpu.sync_copy(m_hbm.at[pl.ds(e0, CH)], mbuf)
            pltpu.sync_copy(mbuf, acc_sh.at[rowi_v.at[j]], add=True)
            return carry

        lax.fori_loop(0, per_w, body, 0)
        plsc.subcore_barrier()
        pltpu.sync_copy(acc_sh.at[pl.ds(s * stripe, stripe)],
                        out_hbm.at[pl.ds(c * n_pad + s * stripe, stripe)])

    return scatter


def _node_update_body(h_ref, p0_ref, p1_ref, flags_ref, wn1h_ref, wn1a_ref,
                      bn1_ref, wn2_ref, bn2_ref, out_ref):
    h = h_ref[...]
    agg = p0_ref[...] + p1_ref[...]
    t = (jnp.dot(h, wn1h_ref[...], preferred_element_type=jnp.float32)
         + jnp.dot(agg, wn1a_ref[...], preferred_element_type=jnp.float32)
         + bn1_ref[...])
    t = _silu(t)
    upd = jnp.dot(t, wn2_ref[...], preferred_element_type=jnp.float32) + bn2_ref[...]
    out_ref[...] = (h + upd) * flags_ref[...]


def kernel(h, edge_index, edge_attr, flags, edge_mask,
           W1, b1, W2, b2, Wn1, bn1, Wn2, bn2, Wa, ba):
    n, d_in = h.shape
    e = edge_index.shape[1]
    d_edge = edge_attr.shape[1]
    d_out = W1.shape[1]

    W1r, W1c, W1e = W1[:d_in], W1[d_in:2 * d_in], W1[2 * d_in:]
    Wn1h, Wn1a = Wn1[:d_in], Wn1[d_in:]
    b1r = b1.reshape(1, -1)
    b2r = b2.reshape(1, -1)
    bn1r = bn1.reshape(1, -1)
    bn2r = bn2.reshape(1, -1)
    bar = ba.reshape(1, -1)

    quant = NW * CH * 8
    e_pad = ((e + quant - 1) // quant) * quant
    n_pad = ((n + NS * 8 - 1) // (NS * 8)) * (NS * 8)
    pad = e_pad - e
    row = edge_index[0].astype(jnp.int32)
    col = edge_index[1].astype(jnp.int32)
    row_p = jnp.pad(row, (0, pad)).reshape(e_pad // CH, CH)
    col_p = jnp.pad(col, (0, pad)).reshape(e_pad // CH, CH)
    ea_p = jnp.pad(edge_attr, ((0, pad), (0, 0)))
    mask_p = jnp.pad(edge_mask, ((0, pad), (0, 0)))
    zeros_stripe = jnp.zeros((n_pad // NS, d_out), jnp.float32)

    pr, pc = pl.pallas_call(
        _node_proj_body,
        out_shape=[
            jax.ShapeDtypeStruct((n, d_out), jnp.float32),
            jax.ShapeDtypeStruct((n, d_out), jnp.float32),
        ],
    )(h, W1r, W1c)

    gr, gc = _make_gather(e_pad, n, d_out)(pr, pc, row_p, col_p)

    eb = 4096
    grid = (e_pad // eb,)
    mat = lambda r, c_: pl.BlockSpec((r, c_), lambda i: (0, 0))
    msg = pl.pallas_call(
        _edge_mlp_body,
        grid=grid,
        in_specs=[
            pl.BlockSpec((eb, d_out), lambda i: (i, 0)),
            pl.BlockSpec((eb, d_out), lambda i: (i, 0)),
            pl.BlockSpec((eb, d_edge), lambda i: (i, 0)),
            pl.BlockSpec((eb, 1), lambda i: (i, 0)),
            mat(d_edge, d_out),
            mat(1, d_out),
            mat(d_out, d_out),
            mat(1, d_out),
            mat(d_out, 1),
            mat(1, 1),
        ],
        out_specs=pl.BlockSpec((eb, d_out), lambda i: (i, 0)),
        out_shape=jax.ShapeDtypeStruct((e_pad, d_out), jnp.float32),
    )(gr, gc, ea_p, mask_p, W1e, b1r, W2, b2r, Wa, bar)

    partials = _make_scatter(e_pad, n_pad, d_out)(msg, row_p, zeros_stripe)

    h_out = pl.pallas_call(
        _node_update_body,
        out_shape=jax.ShapeDtypeStruct((n, d_out), jnp.float32),
    )(h, partials[:n], partials[n_pad:n_pad + n], flags, Wn1h, Wn1a, bn1r, Wn2, bn2r)

    return h_out

# --- scband reference (transcript-rebuilt; emitter-appended) ---
"""Pipeline reference for scband-gcl-12610023981467 (READ-ONLY COPY).

The authoritative reference and input builder live on the scoring server;
editing this copy changes nothing except your own understanding.
"""

import jax, jax.numpy as jnp
import numpy as np

N = 10000
E = 320000
D_IN = 128
D_OUT = 128
D_EDGE = 16


def silu(x):
    return x * jax.nn.sigmoid(x)


def setup_inputs(seed: int = 0) -> dict:
    key = jax.random.key(seed)
    ks = jax.random.split(key, 16)
    h = jax.random.normal(ks[0], (N, D_IN), dtype=jnp.float32)
    edge_index = jax.random.randint(ks[1], (2, E), 0, N)
    edge_attr = jax.random.normal(ks[2], (E, D_EDGE), dtype=jnp.float32)
    flags = jnp.ones((N, 1), dtype=jnp.float32)
    edge_mask = jnp.ones((E, 1), dtype=jnp.float32)
    s = 0.02
    W1 = jax.random.normal(ks[3], (2 * D_IN + D_EDGE, D_OUT), dtype=jnp.float32) * s
    b1 = jnp.zeros((D_OUT,), dtype=jnp.float32)
    W2 = jax.random.normal(ks[4], (D_OUT, D_OUT), dtype=jnp.float32) * s
    b2 = jnp.zeros((D_OUT,), dtype=jnp.float32)
    Wn1 = jax.random.normal(ks[5], (D_IN + D_OUT, D_OUT), dtype=jnp.float32) * s
    bn1 = jnp.zeros((D_OUT,), dtype=jnp.float32)
    Wn2 = jax.random.normal(ks[6], (D_OUT, D_OUT), dtype=jnp.float32) * s
    bn2 = jnp.zeros((D_OUT,), dtype=jnp.float32)
    Wa = jax.random.normal(ks[7], (D_OUT, 1), dtype=jnp.float32) * s
    ba = jnp.zeros((1,), dtype=jnp.float32)
    return {
        'h': h, 'edge_index': edge_index, 'edge_attr': edge_attr,
        'flags': flags, 'edge_mask': edge_mask,
        'W1': W1, 'b1': b1, 'W2': W2, 'b2': b2,
        'Wn1': Wn1, 'bn1': bn1, 'Wn2': Wn2, 'bn2': bn2,
        'Wa': Wa, 'ba': ba,
    }


def reference(h, edge_index, edge_attr, flags, edge_mask,
              W1, b1, W2, b2, Wn1, bn1, Wn2, bn2, Wa, ba):
    row = edge_index[0]
    col = edge_index[1]
    msg = jnp.concatenate([h[row], h[col], edge_attr], axis=1)
    msg = silu(msg @ W1 + b1)
    msg = silu(msg @ W2 + b2)
    att = jax.nn.sigmoid(msg @ Wa + ba)
    msg = msg * att * edge_mask
    agg = jax.ops.segment_sum(msg, row, num_segments=h.shape[0])
    agg = agg / 1.0  # normalization_factor = 1, aggregation 'sum'
    agg = jnp.concatenate([h, agg], axis=1)
    upd = silu(agg @ Wn1 + bn1)
    upd = upd @ Wn2 + bn2
    h_out = h + upd
    return h_out * flags

if __name__ == "__main__":
    import jax
    _d = setup_inputs()
    print(jax.jit(kernel)(*tuple(_d.values())))

</pallas_src>

<mosaic_0001>
#map = affine_map<(d0, d1) -> (0, 0)>
module attributes {stable_mosaic.version = 14 : i64} {
  func.func @scatter(%arg0: i32, %arg1: i32, %arg2: memref<327680x128xf32, #tpu.memory_space<hbm>>, %arg3: memref<2560x128xi32, #tpu.memory_space<hbm>>, %arg4: memref<632x128xf32, #tpu.memory_space<hbm>>, %arg5: memref<20224x128xf32, #tpu.memory_space<hbm>>, %arg6: memref<80x128xi32, #tpu.memory_space<vmem>>, %arg7: memref<128x128xf32, #tpu.memory_space<vmem>>, %arg8: memref<10112x128xf32, #tpu.memory_space<vmem_shared>>, %arg9: memref<!tpu.dma_semaphore, #tpu.memory_space<semaphore_mem>>) attributes {dimension_semantics = [#tpu.dimension_semantics<core_parallel>, #tpu.dimension_semantics<subcore_parallel>], iteration_bounds = array<i64: 2, 16>, scalar_prefetch = 0 : i64, scratch_operands = 4 : i64, tpu.core_type = #tpu.core_type<sc_vector_subcore>, window_params = [{transform_indices = #map}, {transform_indices = #map}, {transform_indices = #map}, {transform_indices = #map}]} {
    %mul3A = arith.constant 2 : i32
    %mul3A_0 = arith.muli %arg1, %mul3A : i32
    %add3A = arith.addi %mul3A_0, %arg0 : i32
    %mul3A_1 = arith.constant 80 : i32
    %mul3A_2 = arith.muli %add3A, %mul3A_1 : i32
    %mul3A_3 = arith.constant 632 : i32
    %mul3A_4 = arith.muli %arg1, %mul3A_3 : i32
    "tpu.region"() ({
      %run_scoped3A = tpu.sem_alloc : memref<!tpu.dma_semaphore, #tpu.memory_space<semaphore_mem>>
      %dma_start3A = arith.constant 0 : i32
      %dma_start3A_18 = tpu.memref_slice %arg8[%mul3A_4, %dma_start3A] : memref<10112x128xf32, #tpu.memory_space<vmem_shared>> -> memref<632x128xf32, #tpu.memory_space<vmem_shared>>
      tpu.enqueue_dma source(%arg4 : memref<632x128xf32, #tpu.memory_space<hbm>>) target(%dma_start3A_18 : memref<632x128xf32, #tpu.memory_space<vmem_shared>>) target_semaphore(%run_scoped3A : memref<!tpu.dma_semaphore, #tpu.memory_space<semaphore_mem>>)
      %dma_wait3A = arith.constant 0 : i32
      %dma_wait3A_19 = tpu.memref_slice %arg8[%mul3A_4, %dma_wait3A] : memref<10112x128xf32, #tpu.memory_space<vmem_shared>> -> memref<632x128xf32, #tpu.memory_space<vmem_shared>>
      tpu.wait_dma2 semaphore(%run_scoped3A : memref<!tpu.dma_semaphore, #tpu.memory_space<semaphore_mem>>) src(%arg4 : memref<632x128xf32, #tpu.memory_space<hbm>>) dst(%dma_wait3A_19 : memref<632x128xf32, #tpu.memory_space<vmem_shared>>)
      tpu.yield
    }) : () -> ()
    %barrier3A = arith.constant 0 : index
    tpu.barrier barrier_id(%barrier3A)
    "tpu.region"() ({
      %run_scoped3A = tpu.sem_alloc : memref<!tpu.dma_semaphore, #tpu.memory_space<semaphore_mem>>
      %dma_start3A = arith.constant 0 : i32
      %dma_start3A_18 = tpu.memref_slice %arg3[%mul3A_2, %dma_start3A] : memref<2560x128xi32, #tpu.memory_space<hbm>> -> memref<80x128xi32, #tpu.memory_space<hbm>>
      %dma_start3A_19 = arith.constant 0 : i32
      %dma_start3A_20 = tpu.memref_slice %arg3[%mul3A_2, %dma_start3A_19] : memref<2560x128xi32, #tpu.memory_space<hbm>> -> memref<80x128xi32, #tpu.memory_space<hbm>>
      tpu.enqueue_dma source(%dma_start3A_20 : memref<80x128xi32, #tpu.memory_space<hbm>>) target(%arg6 : memref<80x128xi32, #tpu.memory_space<vmem>>) target_semaphore(%run_scoped3A : memref<!tpu.dma_semaphore, #tpu.memory_space<semaphore_mem>>)
      %dma_wait3A = arith.constant 0 : i32
      %dma_wait3A_21 = tpu.memref_slice %arg3[%mul3A_2, %dma_wait3A] : memref<2560x128xi32, #tpu.memory_space<hbm>> -> memref<80x128xi32, #tpu.memory_space<hbm>>
      %dma_wait3A_22 = arith.constant 0 : i32
      %dma_wait3A_23 = tpu.memref_slice %arg3[%mul3A_2, %dma_wait3A_22] : memref<2560x128xi32, #tpu.memory_space<hbm>> -> memref<80x128xi32, #tpu.memory_space<hbm>>
      tpu.wait_dma2 semaphore(%run_scoped3A : memref<!tpu.dma_semaphore, #tpu.memory_space<semaphore_mem>>) src(%dma_wait3A_23 : memref<80x128xi32, #tpu.memory_space<hbm>>) dst(%arg6 : memref<80x128xi32, #tpu.memory_space<vmem>>)
      tpu.yield
    }) : () -> ()
    %scan3A = arith.constant 0 : i32
    %scan3A_5 = arith.constant 0 : i32
    %scan3A_6 = arith.constant 80 : i32
    %scan3A_7 = arith.addi %scan3A_5, %scan3A_6 : i32
    %scan3A_8 = arith.constant 1 : i32
    scf.for %scan3A_18 = %scan3A_5 to %scan3A_7 step %scan3A_8  : i32 {
      %add3A_19 = arith.addi %mul3A_2, %scan3A_18 : i32
      %mul3A_20 = arith.constant 128 : i32
      %mul3A_21 = arith.muli %add3A_19, %mul3A_20 : i32
      "tpu.region"() ({
        %run_scoped3A = tpu.sem_alloc : memref<!tpu.dma_semaphore, #tpu.memory_space<semaphore_mem>>
        %dma_start3A = arith.constant 0 : i32
        %dma_start3A_22 = tpu.memref_slice %arg2[%mul3A_21, %dma_start3A] : memref<327680x128xf32, #tpu.memory_space<hbm>> -> memref<128x128xf32, #tpu.memory_space<hbm>>
        %dma_start3A_23 = arith.constant 0 : i32
        %dma_start3A_24 = tpu.memref_slice %arg2[%mul3A_21, %dma_start3A_23] : memref<327680x128xf32, #tpu.memory_space<hbm>> -> memref<128x128xf32, #tpu.memory_space<hbm>>
        tpu.enqueue_dma source(%dma_start3A_24 : memref<128x128xf32, #tpu.memory_space<hbm>>) target(%arg7 : memref<128x128xf32, #tpu.memory_space<vmem>>) target_semaphore(%run_scoped3A : memref<!tpu.dma_semaphore, #tpu.memory_space<semaphore_mem>>)
        %dma_wait3A = arith.constant 0 : i32
        %dma_wait3A_25 = tpu.memref_slice %arg2[%mul3A_21, %dma_wait3A] : memref<327680x128xf32, #tpu.memory_space<hbm>> -> memref<128x128xf32, #tpu.memory_space<hbm>>
        %dma_wait3A_26 = arith.constant 0 : i32
        %dma_wait3A_27 = tpu.memref_slice %arg2[%mul3A_21, %dma_wait3A_26] : memref<327680x128xf32, #tpu.memory_space<hbm>> -> memref<128x128xf32, #tpu.memory_space<hbm>>
        tpu.wait_dma2 semaphore(%run_scoped3A : memref<!tpu.dma_semaphore, #tpu.memory_space<semaphore_mem>>) src(%dma_wait3A_27 : memref<128x128xf32, #tpu.memory_space<hbm>>) dst(%arg7 : memref<128x128xf32, #tpu.memory_space<vmem>>)
        tpu.yield
      }) : () -> ()
      "tpu.region"() ({
        %run_scoped3A = tpu.sem_alloc : memref<!tpu.dma_semaphore, #tpu.memory_space<semaphore_mem>>
        %dma_start3A = arith.constant 0 : i32
        %dma_start3A_22 = tpu.memref_slice %arg6[%scan3A_18, %dma_start3A] : memref<80x128xi32, #tpu.memory_space<vmem>> -> memref<1x128xi32, #tpu.memory_space<vmem>>
        %dma_start3A_23 = tpu.memref_squeeze %dma_start3A_22 : memref<1x128xi32, #tpu.memory_space<vmem>> -> memref<128xi32, #tpu.memory_space<vmem>>
        %dma_start3A_24 = arith.constant 0 : i32
        %dma_start3A_25 = arith.constant 0 : i32
        %dma_start3A_26 = tpu.memref_slice %arg8[%dma_start3A_24, %dma_start3A_25] : memref<10112x128xf32, #tpu.memory_space<vmem_shared>> -> memref<10112x128xf32, #tpu.memory_space<vmem_shared>>
        tpu.enqueue_indirect_dma source(%arg7 : memref<128x128xf32, #tpu.memory_space<vmem>>) target(%dma_start3A_26 : memref<10112x128xf32, #tpu.memory_space<vmem_shared>>) offsets(%dma_start3A_23 : memref<128xi32, #tpu.memory_space<vmem>>) semaphore(%run_scoped3A : memref<!tpu.dma_semaphore, #tpu.memory_space<semaphore_mem>>) {add = true}
        %dma_wait3A = arith.constant 0 : i32
        %dma_wait3A_27 = tpu.memref_slice %arg6[%scan3A_18, %dma_wait3A] : memref<80x128xi32, #tpu.memory_space<vmem>> -> memref<1x128xi32, #tpu.memory_space<vmem>>
        %dma_wait3A_28 = tpu.memref_squeeze %dma_wait3A_27 : memref<1x128xi32, #tpu.memory_space<vmem>> -> memref<128xi32, #tpu.memory_space<vmem>>
        %dma_wait3A_29 = arith.constant 0 : i32
        %dma_wait3A_30 = arith.constant 0 : i32
        %dma_wait3A_31 = tpu.memref_slice %arg8[%dma_wait3A_29, %dma_wait3A_30] : memref<10112x128xf32, #tpu.memory_space<vmem_shared>> -> memref<10112x128xf32, #tpu.memory_space<vmem_shared>>
        tpu.wait_indirect_dma semaphore(%run_scoped3A : memref<!tpu.dma_semaphore, #tpu.memory_space<semaphore_mem>>) src(%arg7 : memref<128x128xf32, #tpu.memory_space<vmem>>) dst(%dma_wait3A_31 : memref<10112x128xf32, #tpu.memory_space<vmem_shared>>)
        tpu.yield
      }) : () -> ()
    }
    %scan3A_9 = arith.constant 80 : i32
    %barrier3A_10 = arith.constant 0 : index
    tpu.barrier barrier_id(%barrier3A_10)
    %mul3A_11 = arith.constant 632 : i32
    %mul3A_12 = arith.muli %arg1, %mul3A_11 : i32
    %mul3A_13 = arith.constant 10112 : i32
    %mul3A_14 = arith.muli %arg0, %mul3A_13 : i32
    %mul3A_15 = arith.constant 632 : i32
    %mul3A_16 = arith.muli %arg1, %mul3A_15 : i32
    %add3A_17 = arith.addi %mul3A_14, %mul3A_16 : i32
    "tpu.region"() ({
      %run_scoped3A = tpu.sem_alloc : memref<!tpu.dma_semaphore, #tpu.memory_space<semaphore_mem>>
      %dma_start3A = arith.constant 0 : i32
      %dma_start3A_18 = tpu.memref_slice %arg5[%add3A_17, %dma_start3A] : memref<20224x128xf32, #tpu.memory_space<hbm>> -> memref<632x128xf32, #tpu.memory_space<hbm>>
      %dma_start3A_19 = arith.constant 0 : i32
      %dma_start3A_20 = tpu.memref_slice %arg8[%mul3A_12, %dma_start3A_19] : memref<10112x128xf32, #tpu.memory_space<vmem_shared>> -> memref<632x128xf32, #tpu.memory_space<vmem_shared>>
      tpu.enqueue_dma source(%dma_start3A_20 : memref<632x128xf32, #tpu.memory_space<vmem_shared>>) target(%dma_start3A_18 : memref<632x128xf32, #tpu.memory_space<hbm>>) target_semaphore(%run_scoped3A : memref<!tpu.dma_semaphore, #tpu.memory_space<semaphore_mem>>)
      %dma_wait3A = arith.constant 0 : i32
      %dma_wait3A_21 = tpu.memref_slice %arg5[%add3A_17, %dma_wait3A] : memref<20224x128xf32, #tpu.memory_space<hbm>> -> memref<632x128xf32, #tpu.memory_space<hbm>>
      %dma_wait3A_22 = arith.constant 0 : i32
      %dma_wait3A_23 = tpu.memref_slice %arg8[%mul3A_12, %dma_wait3A_22] : memref<10112x128xf32, #tpu.memory_space<vmem_shared>> -> memref<632x128xf32, #tpu.memory_space<vmem_shared>>
      tpu.wait_dma2 semaphore(%run_scoped3A : memref<!tpu.dma_semaphore, #tpu.memory_space<semaphore_mem>>) src(%dma_wait3A_23 : memref<632x128xf32, #tpu.memory_space<vmem_shared>>) dst(%dma_wait3A_21 : memref<632x128xf32, #tpu.memory_space<hbm>>)
      tpu.yield
    }) : () -> ()
    return
  }
}

#map = affine_map<(d0, d1) -> (0, 0)>
module attributes {stable_mosaic.version = 14 : i64} {
  func.func @gather(%arg0: i32, %arg1: i32, %arg2: memref<10000x128xf32, #tpu.memory_space<hbm>>, %arg3: memref<10000x128xf32, #tpu.memory_space<hbm>>, %arg4: memref<2560x128xi32, #tpu.memory_space<hbm>>, %arg5: memref<2560x128xi32, #tpu.memory_space<hbm>>, %arg6: memref<327680x128xf32, #tpu.memory_space<hbm>>, %arg7: memref<327680x128xf32, #tpu.memory_space<hbm>>, %arg8: memref<80x128xi32, #tpu.memory_space<vmem>>, %arg9: memref<80x128xi32, #tpu.memory_space<vmem>>, %arg10: memref<128x128xf32, #tpu.memory_space<vmem>>, %arg11: memref<128x128xf32, #tpu.memory_space<vmem>>, %arg12: memref<!tpu.dma_semaphore, #tpu.memory_space<semaphore_mem>>, %arg13: memref<!tpu.dma_semaphore, #tpu.memory_space<semaphore_mem>>) attributes {dimension_semantics = [#tpu.dimension_semantics<core_parallel>, #tpu.dimension_semantics<subcore_parallel>], iteration_bounds = array<i64: 2, 16>, scalar_prefetch = 0 : i64, scratch_operands = 6 : i64, tpu.core_type = #tpu.core_type<sc_vector_subcore>, window_params = [{transform_indices = #map}, {transform_indices = #map}, {transform_indices = #map}, {transform_indices = #map}, {transform_indices = #map}, {transform_indices = #map}]} {
    %mul3A = arith.constant 2 : i32
    %mul3A_0 = arith.muli %arg1, %mul3A : i32
    %add3A = arith.addi %mul3A_0, %arg0 : i32
    %mul3A_1 = arith.constant 80 : i32
    %mul3A_2 = arith.muli %add3A, %mul3A_1 : i32
    "tpu.region"() ({
      %run_scoped3A = tpu.sem_alloc : memref<!tpu.dma_semaphore, #tpu.memory_space<semaphore_mem>>
      %dma_start3A = arith.constant 0 : i32
      %dma_start3A_8 = tpu.memref_slice %arg4[%mul3A_2, %dma_start3A] : memref<2560x128xi32, #tpu.memory_space<hbm>> -> memref<80x128xi32, #tpu.memory_space<hbm>>
      %dma_start3A_9 = arith.constant 0 : i32
      %dma_start3A_10 = tpu.memref_slice %arg4[%mul3A_2, %dma_start3A_9] : memref<2560x128xi32, #tpu.memory_space<hbm>> -> memref<80x128xi32, #tpu.memory_space<hbm>>
      tpu.enqueue_dma source(%dma_start3A_10 : memref<80x128xi32, #tpu.memory_space<hbm>>) target(%arg8 : memref<80x128xi32, #tpu.memory_space<vmem>>) target_semaphore(%run_scoped3A : memref<!tpu.dma_semaphore, #tpu.memory_space<semaphore_mem>>)
      %dma_wait3A = arith.constant 0 : i32
      %dma_wait3A_11 = tpu.memref_slice %arg4[%mul3A_2, %dma_wait3A] : memref<2560x128xi32, #tpu.memory_space<hbm>> -> memref<80x128xi32, #tpu.memory_space<hbm>>
      %dma_wait3A_12 = arith.constant 0 : i32
      %dma_wait3A_13 = tpu.memref_slice %arg4[%mul3A_2, %dma_wait3A_12] : memref<2560x128xi32, #tpu.memory_space<hbm>> -> memref<80x128xi32, #tpu.memory_space<hbm>>
      tpu.wait_dma2 semaphore(%run_scoped3A : memref<!tpu.dma_semaphore, #tpu.memory_space<semaphore_mem>>) src(%dma_wait3A_13 : memref<80x128xi32, #tpu.memory_space<hbm>>) dst(%arg8 : memref<80x128xi32, #tpu.memory_space<vmem>>)
      tpu.yield
    }) : () -> ()
    "tpu.region"() ({
      %run_scoped3A = tpu.sem_alloc : memref<!tpu.dma_semaphore, #tpu.memory_space<semaphore_mem>>
      %dma_start3A = arith.constant 0 : i32
      %dma_start3A_8 = tpu.memref_slice %arg5[%mul3A_2, %dma_start3A] : memref<2560x128xi32, #tpu.memory_space<hbm>> -> memref<80x128xi32, #tpu.memory_space<hbm>>
      %dma_start3A_9 = arith.constant 0 : i32
      %dma_start3A_10 = tpu.memref_slice %arg5[%mul3A_2, %dma_start3A_9] : memref<2560x128xi32, #tpu.memory_space<hbm>> -> memref<80x128xi32, #tpu.memory_space<hbm>>
      tpu.enqueue_dma source(%dma_start3A_10 : memref<80x128xi32, #tpu.memory_space<hbm>>) target(%arg9 : memref<80x128xi32, #tpu.memory_space<vmem>>) target_semaphore(%run_scoped3A : memref<!tpu.dma_semaphore, #tpu.memory_space<semaphore_mem>>)
      %dma_wait3A = arith.constant 0 : i32
      %dma_wait3A_11 = tpu.memref_slice %arg5[%mul3A_2, %dma_wait3A] : memref<2560x128xi32, #tpu.memory_space<hbm>> -> memref<80x128xi32, #tpu.memory_space<hbm>>
      %dma_wait3A_12 = arith.constant 0 : i32
      %dma_wait3A_13 = tpu.memref_slice %arg5[%mul3A_2, %dma_wait3A_12] : memref<2560x128xi32, #tpu.memory_space<hbm>> -> memref<80x128xi32, #tpu.memory_space<hbm>>
      tpu.wait_dma2 semaphore(%run_scoped3A : memref<!tpu.dma_semaphore, #tpu.memory_space<semaphore_mem>>) src(%dma_wait3A_13 : memref<80x128xi32, #tpu.memory_space<hbm>>) dst(%arg9 : memref<80x128xi32, #tpu.memory_space<vmem>>)
      tpu.yield
    }) : () -> ()
    %scan3A = arith.constant 0 : i32
    %scan3A_3 = arith.constant 0 : i32
    %scan3A_4 = arith.constant 80 : i32
    %scan3A_5 = arith.addi %scan3A_3, %scan3A_4 : i32
    %scan3A_6 = arith.constant 1 : i32
    scf.for %scan3A_8 = %scan3A_3 to %scan3A_5 step %scan3A_6  : i32 {
      %add3A_9 = arith.addi %mul3A_2, %scan3A_8 : i32
      %mul3A_10 = arith.constant 128 : i32
      %mul3A_11 = arith.muli %add3A_9, %mul3A_10 : i32
      %dma_start3A = arith.constant 0 : i32
      %dma_start3A_12 = tpu.memref_slice %arg8[%scan3A_8, %dma_start3A] : memref<80x128xi32, #tpu.memory_space<vmem>> -> memref<1x128xi32, #tpu.memory_space<vmem>>
      %dma_start3A_13 = tpu.memref_squeeze %dma_start3A_12 : memref<1x128xi32, #tpu.memory_space<vmem>> -> memref<128xi32, #tpu.memory_space<vmem>>
      %dma_start3A_14 = arith.constant 0 : i32
      %dma_start3A_15 = arith.constant 0 : i32
      %dma_start3A_16 = tpu.memref_slice %arg2[%dma_start3A_14, %dma_start3A_15] : memref<10000x128xf32, #tpu.memory_space<hbm>> -> memref<10000x128xf32, #tpu.memory_space<hbm>>
      tpu.enqueue_indirect_dma source(%dma_start3A_16 : memref<10000x128xf32, #tpu.memory_space<hbm>>) target(%arg10 : memref<128x128xf32, #tpu.memory_space<vmem>>) offsets(%dma_start3A_13 : memref<128xi32, #tpu.memory_space<vmem>>) semaphore(%arg12 : memref<!tpu.dma_semaphore, #tpu.memory_space<semaphore_mem>>)
      %dma_start3A_17 = arith.constant 0 : i32
      %dma_start3A_18 = tpu.memref_slice %arg9[%scan3A_8, %dma_start3A_17] : memref<80x128xi32, #tpu.memory_space<vmem>> -> memref<1x128xi32, #tpu.memory_space<vmem>>
      %dma_start3A_19 = tpu.memref_squeeze %dma_start3A_18 : memref<1x128xi32, #tpu.memory_space<vmem>> -> memref<128xi32, #tpu.memory_space<vmem>>
      %dma_start3A_20 = arith.constant 0 : i32
      %dma_start3A_21 = arith.constant 0 : i32
      %dma_start3A_22 = tpu.memref_slice %arg3[%dma_start3A_20, %dma_start3A_21] : memref<10000x128xf32, #tpu.memory_space<hbm>> -> memref<10000x128xf32, #tpu.memory_space<hbm>>
      tpu.enqueue_indirect_dma source(%dma_start3A_22 : memref<10000x128xf32, #tpu.memory_space<hbm>>) target(%arg11 : memref<128x128xf32, #tpu.memory_space<vmem>>) offsets(%dma_start3A_19 : memref<128xi32, #tpu.memory_space<vmem>>) semaphore(%arg13 : memref<!tpu.dma_semaphore, #tpu.memory_space<semaphore_mem>>)
      %dma_wait3A = arith.constant 0 : i32
      %dma_wait3A_23 = tpu.memref_slice %arg8[%scan3A_8, %dma_wait3A] : memref<80x128xi32, #tpu.memory_space<vmem>> -> memref<1x128xi32, #tpu.memory_space<vmem>>
      %dma_wait3A_24 = tpu.memref_squeeze %dma_wait3A_23 : memref<1x128xi32, #tpu.memory_space<vmem>> -> memref<128xi32, #tpu.memory_space<vmem>>
      %dma_wait3A_25 = arith.constant 0 : i32
      %dma_wait3A_26 = arith.constant 0 : i32
      %dma_wait3A_27 = tpu.memref_slice %arg2[%dma_wait3A_25, %dma_wait3A_26] : memref<10000x128xf32, #tpu.memory_space<hbm>> -> memref<10000x128xf32, #tpu.memory_space<hbm>>
      tpu.wait_indirect_dma semaphore(%arg12 : memref<!tpu.dma_semaphore, #tpu.memory_space<semaphore_mem>>) src(%dma_wait3A_27 : memref<10000x128xf32, #tpu.memory_space<hbm>>) dst(%arg10 : memref<128x128xf32, #tpu.memory_space<vmem>>)
      %dma_wait3A_28 = arith.constant 0 : i32
      %dma_wait3A_29 = tpu.memref_slice %arg9[%scan3A_8, %dma_wait3A_28] : memref<80x128xi32, #tpu.memory_space<vmem>> -> memref<1x128xi32, #tpu.memory_space<vmem>>
      %dma_wait3A_30 = tpu.memref_squeeze %dma_wait3A_29 : memref<1x128xi32, #tpu.memory_space<vmem>> -> memref<128xi32, #tpu.memory_space<vmem>>
      %dma_wait3A_31 = arith.constant 0 : i32
      %dma_wait3A_32 = arith.constant 0 : i32
      %dma_wait3A_33 = tpu.memref_slice %arg3[%dma_wait3A_31, %dma_wait3A_32] : memref<10000x128xf32, #tpu.memory_space<hbm>> -> memref<10000x128xf32, #tpu.memory_space<hbm>>
      tpu.wait_indirect_dma semaphore(%arg13 : memref<!tpu.dma_semaphore, #tpu.memory_space<semaphore_mem>>) src(%dma_wait3A_33 : memref<10000x128xf32, #tpu.memory_space<hbm>>) dst(%arg11 : memref<128x128xf32, #tpu.memory_space<vmem>>)
      "tpu.region"() ({
        %run_scoped3A = tpu.sem_alloc : memref<!tpu.dma_semaphore, #tpu.memory_space<semaphore_mem>>
        %dma_start3A_34 = arith.constant 0 : i32
        %dma_start3A_35 = tpu.memref_slice %arg6[%mul3A_11, %dma_start3A_34] : memref<327680x128xf32, #tpu.memory_space<hbm>> -> memref<128x128xf32, #tpu.memory_space<hbm>>
        %dma_start3A_36 = arith.constant 0 : i32
        %dma_start3A_37 = tpu.memref_slice %arg6[%mul3A_11, %dma_start3A_36] : memref<327680x128xf32, #tpu.memory_space<hbm>> -> memref<128x128xf32, #tpu.memory_space<hbm>>
        tpu.enqueue_dma source(%arg10 : memref<128x128xf32, #tpu.memory_space<vmem>>) target(%dma_start3A_37 : memref<128x128xf32, #tpu.memory_space<hbm>>) target_semaphore(%run_scoped3A : memref<!tpu.dma_semaphore, #tpu.memory_space<semaphore_mem>>)
        %dma_wait3A_38 = arith.constant 0 : i32
        %dma_wait3A_39 = tpu.memref_slice %arg6[%mul3A_11, %dma_wait3A_38] : memref<327680x128xf32, #tpu.memory_space<hbm>> -> memref<128x128xf32, #tpu.memory_space<hbm>>
        %dma_wait3A_40 = arith.constant 0 : i32
        %dma_wait3A_41 = tpu.memref_slice %arg6[%mul3A_11, %dma_wait3A_40] : memref<327680x128xf32, #tpu.memory_space<hbm>> -> memref<128x128xf32, #tpu.memory_space<hbm>>
        tpu.wait_dma2 semaphore(%run_scoped3A : memref<!tpu.dma_semaphore, #tpu.memory_space<semaphore_mem>>) src(%arg10 : memref<128x128xf32, #tpu.memory_space<vmem>>) dst(%dma_wait3A_41 : memref<128x128xf32, #tpu.memory_space<hbm>>)
        tpu.yield
      }) : () -> ()
      "tpu.region"() ({
        %run_scoped3A = tpu.sem_alloc : memref<!tpu.dma_semaphore, #tpu.memory_space<semaphore_mem>>
        %dma_start3A_34 = arith.constant 0 : i32
        %dma_start3A_35 = tpu.memref_slice %arg7[%mul3A_11, %dma_start3A_34] : memref<327680x128xf32, #tpu.memory_space<hbm>> -> memref<128x128xf32, #tpu.memory_space<hbm>>
        %dma_start3A_36 = arith.constant 0 : i32
        %dma_start3A_37 = tpu.memref_slice %arg7[%mul3A_11, %dma_start3A_36] : memref<327680x128xf32, #tpu.memory_space<hbm>> -> memref<128x128xf32, #tpu.memory_space<hbm>>
        tpu.enqueue_dma source(%arg11 : memref<128x128xf32, #tpu.memory_space<vmem>>) target(%dma_start3A_37 : memref<128x128xf32, #tpu.memory_space<hbm>>) target_semaphore(%run_scoped3A : memref<!tpu.dma_semaphore, #tpu.memory_space<semaphore_mem>>)
        %dma_wait3A_38 = arith.constant 0 : i32
        %dma_wait3A_39 = tpu.memref_slice %arg7[%mul3A_11, %dma_wait3A_38] : memref<327680x128xf32, #tpu.memory_space<hbm>> -> memref<128x128xf32, #tpu.memory_space<hbm>>
        %dma_wait3A_40 = arith.constant 0 : i32
        %dma_wait3A_41 = tpu.memref_slice %arg7[%mul3A_11, %dma_wait3A_40] : memref<327680x128xf32, #tpu.memory_space<hbm>> -> memref<128x128xf32, #tpu.memory_space<hbm>>
        tpu.wait_dma2 semaphore(%run_scoped3A : memref<!tpu.dma_semaphore, #tpu.memory_space<semaphore_mem>>) src(%arg11 : memref<128x128xf32, #tpu.memory_space<vmem>>) dst(%dma_wait3A_41 : memref<128x128xf32, #tpu.memory_space<hbm>>)
        tpu.yield
      }) : () -> ()
    }
    %scan3A_7 = arith.constant 80 : i32
    return
  }
}

module attributes {stable_mosaic.version = 14 : i64} {
  func.func @_node_proj_body(%arg0: memref<10000x128xf32, #tpu.memory_space<vmem>>, %arg1: memref<128x128xf32, #tpu.memory_space<vmem>>, %arg2: memref<128x128xf32, #tpu.memory_space<vmem>>, %arg3: memref<10000x128xf32, #tpu.memory_space<vmem>>, %arg4: memref<10000x128xf32, #tpu.memory_space<vmem>>) attributes {dimension_semantics = [], scalar_prefetch = 0 : i64, scratch_operands = 0 : i64, tpu.core_type = #tpu.core_type<tc>} {
    %get3A = arith.constant 0 : index
    %get3A_0 = arith.constant 0 : index
    %get3A_1 = vector.load %arg0[%get3A, %get3A_0] : memref<10000x128xf32, #tpu.memory_space<vmem>>, vector<10000x128xf32>
    %get3A_2 = arith.constant 0 : index
    %get3A_3 = arith.constant 0 : index
    %get3A_4 = vector.load %arg1[%get3A_2, %get3A_3] : memref<128x128xf32, #tpu.memory_space<vmem>>, vector<128x128xf32>
    %dot_general3A = arith.constant dense<0.000000e+00> : vector<10000x128xf32>
    %dot_general3A_5 = tpu.matmul %get3A_1, %get3A_4, %dot_general3A {dimension_numbers = #tpu.dot_dimension_numbers<[1], [0], [0], [1], [0, 0, 1, 1], [], []>, transpose_lhs_hint = false} : vector<10000x128xf32>, vector<128x128xf32>, vector<10000x128xf32> -> vector<10000x128xf32>
    %swap3A = arith.constant 0 : index
    %swap3A_6 = arith.constant 0 : index
    %swap3A_7 = vector.load %arg3[%swap3A, %swap3A_6] : memref<10000x128xf32, #tpu.memory_space<vmem>>, vector<10000x128xf32>
    tpu.vector_store %arg3[%swap3A, %swap3A_6], %dot_general3A_5 {strides = array<i32>} : memref<10000x128xf32, #tpu.memory_space<vmem>>, vector<10000x128xf32>,
    %get3A_8 = arith.constant 0 : index
    %get3A_9 = arith.constant 0 : index
    %get3A_10 = vector.load %arg2[%get3A_8, %get3A_9] : memref<128x128xf32, #tpu.memory_space<vmem>>, vector<128x128xf32>
    %dot_general3A_11 = arith.constant dense<0.000000e+00> : vector<10000x128xf32>
    %dot_general3A_12 = tpu.matmul %get3A_1, %get3A_10, %dot_general3A_11 {dimension_numbers = #tpu.dot_dimension_numbers<[1], [0], [0], [1], [0, 0, 1, 1], [], []>, transpose_lhs_hint = false} : vector<10000x128xf32>, vector<128x128xf32>, vector<10000x128xf32> -> vector<10000x128xf32>
    %swap3A_13 = arith.constant 0 : index
    %swap3A_14 = arith.constant 0 : index
    %swap3A_15 = vector.load %arg4[%swap3A_13, %swap3A_14] : memref<10000x128xf32, #tpu.memory_space<vmem>>, vector<10000x128xf32>
    tpu.vector_store %arg4[%swap3A_13, %swap3A_14], %dot_general3A_12 {strides = array<i32>} : memref<10000x128xf32, #tpu.memory_space<vmem>>, vector<10000x128xf32>,
    return
  }
}

module attributes {stable_mosaic.version = 14 : i64} {
  func.func @_edge_mlp_body(%arg0: i32, %arg1: memref<4096x128xf32, #tpu.memory_space<vmem>>, %arg2: memref<4096x128xf32, #tpu.memory_space<vmem>>, %arg3: memref<4096x16xf32, #tpu.memory_space<vmem>>, %arg4: memref<4096x1xf32, #tpu.memory_space<vmem>>, %arg5: memref<16x128xf32, #tpu.memory_space<vmem>>, %arg6: memref<1x128xf32, #tpu.memory_space<vmem>>, %arg7: memref<128x128xf32, #tpu.memory_space<vmem>>, %arg8: memref<1x128xf32, #tpu.memory_space<vmem>>, %arg9: memref<128x1xf32, #tpu.memory_space<vmem>>, %arg10: memref<1x1xf32, #tpu.memory_space<vmem>>, %arg11: memref<4096x128xf32, #tpu.memory_space<vmem>>) attributes {dimension_semantics = [#tpu.dimension_semantics<arbitrary>], iteration_bounds = array<i64: 80>, scalar_prefetch = 0 : i64, scratch_operands = 0 : i64, tpu.core_type = #tpu.core_type<tc>, window_params = [{transform_indices = @transform_0, window_bounds = array<i64: 4096, 128>}, {transform_indices = @transform_1, window_bounds = array<i64: 4096, 128>}, {transform_indices = @transform_2, window_bounds = array<i64: 4096, 16>}, {transform_indices = @transform_3, window_bounds = array<i64: 4096, 1>}, {pipeline_mode = #tpu.pipeline_mode<synchronous>, transform_indices = @transform_4, window_bounds = array<i64: 16, 128>}, {pipeline_mode = #tpu.pipeline_mode<synchronous>, transform_indices = @transform_5, window_bounds = array<i64: 1, 128>}, {pipeline_mode = #tpu.pipeline_mode<synchronous>, transform_indices = @transform_6, window_bounds = array<i64: 128, 128>}, {pipeline_mode = #tpu.pipeline_mode<synchronous>, transform_indices = @transform_7, window_bounds = array<i64: 1, 128>}, {pipeline_mode = #tpu.pipeline_mode<synchronous>, transform_indices = @transform_8, window_bounds = array<i64: 128, 1>}, {pipeline_mode = #tpu.pipeline_mode<synchronous>, transform_indices = @transform_9, window_bounds = array<i64: 1, 1>}, {transform_indices = @transform_10, window_bounds = array<i64: 4096, 128>}]} {
    %get3A = arith.constant 0 : index
    %get3A_0 = arith.constant 0 : index
    %get3A_1 = vector.load %arg1[%get3A, %get3A_0] : memref<4096x128xf32, #tpu.memory_space<vmem>>, vector<4096x128xf32>
    %get3A_2 = arith.constant 0 : index
    %get3A_3 = arith.constant 0 : index
    %get3A_4 = vector.load %arg2[%get3A_2, %get3A_3] : memref<4096x128xf32, #tpu.memory_space<vmem>>, vector<4096x128xf32>
    %add3A = arith.addf %get3A_1, %get3A_4 : vector<4096x128xf32>
    %get3A_5 = arith.constant 0 : index
    %get3A_6 = arith.constant 0 : index
    %get3A_7 = vector.load %arg3[%get3A_5, %get3A_6] : memref<4096x16xf32, #tpu.memory_space<vmem>>, vector<4096x16xf32>
    %get3A_8 = arith.constant 0 : index
    %get3A_9 = arith.constant 0 : index
    %get3A_10 = vector.load %arg5[%get3A_8, %get3A_9] : memref<16x128xf32, #tpu.memory_space<vmem>>, vector<16x128xf32>
    %dot_general3A = arith.constant dense<0.000000e+00> : vector<4096x128xf32>
    %dot_general3A_11 = tpu.matmul %get3A_7, %get3A_10, %dot_general3A {dimension_numbers = #tpu.dot_dimension_numbers<[1], [0], [0], [1], [0, 0, 1, 1], [], []>, transpose_lhs_hint = false} : vector<4096x16xf32>, vector<16x128xf32>, vector<4096x128xf32> -> vector<4096x128xf32>
    %add3A_12 = arith.addf %add3A, %dot_general3A_11 : vector<4096x128xf32>
    %get3A_13 = arith.constant 0 : index
    %get3A_14 = arith.constant 0 : index
    %get3A_15 = vector.load %arg6[%get3A_13, %get3A_14] : memref<1x128xf32, #tpu.memory_space<vmem>>, vector<1x128xf32>
    %add3A_16 = vector.broadcast %get3A_15 : vector<1x128xf32> to vector<4096x128xf32>
    %add3A_17 = arith.addf %add3A_12, %add3A_16 : vector<4096x128xf32>
    %logistic3A = arith.negf %add3A_17 : vector<4096x128xf32>
    %logistic3A_18 = math.exp %logistic3A : vector<4096x128xf32>
    %logistic3A_19 = arith.constant 1.000000e+00 : f32
    %logistic3A_20 = vector.broadcast %logistic3A_19 : f32 to vector<4096x128xf32>
    %logistic3A_21 = arith.addf %logistic3A_20, %logistic3A_18 : vector<4096x128xf32>
    %logistic3A_22 = arith.divf %logistic3A_20, %logistic3A_21 : vector<4096x128xf32>
    %mul3A = arith.mulf %add3A_17, %logistic3A_22 : vector<4096x128xf32>
    %get3A_23 = arith.constant 0 : index
    %get3A_24 = arith.constant 0 : index
    %get3A_25 = vector.load %arg7[%get3A_23, %get3A_24] : memref<128x128xf32, #tpu.memory_space<vmem>>, vector<128x128xf32>
    %dot_general3A_26 = arith.constant dense<0.000000e+00> : vector<4096x128xf32>
    %dot_general3A_27 = tpu.matmul %mul3A, %get3A_25, %dot_general3A_26 {dimension_numbers = #tpu.dot_dimension_numbers<[1], [0], [0], [1], [0, 0, 1, 1], [], []>, transpose_lhs_hint = false} : vector<4096x128xf32>, vector<128x128xf32>, vector<4096x128xf32> -> vector<4096x128xf32>
    %get3A_28 = arith.constant 0 : index
    %get3A_29 = arith.constant 0 : index
    %get3A_30 = vector.load %arg8[%get3A_28, %get3A_29] : memref<1x128xf32, #tpu.memory_space<vmem>>, vector<1x128xf32>
    %add3A_31 = vector.broadcast %get3A_30 : vector<1x128xf32> to vector<4096x128xf32>
    %add3A_32 = arith.addf %dot_general3A_27, %add3A_31 : vector<4096x128xf32>
    %logistic3A_33 = arith.negf %add3A_32 : vector<4096x128xf32>
    %logistic3A_34 = math.exp %logistic3A_33 : vector<4096x128xf32>
    %logistic3A_35 = arith.constant 1.000000e+00 : f32
    %logistic3A_36 = vector.broadcast %logistic3A_35 : f32 to vector<4096x128xf32>
    %logistic3A_37 = arith.addf %logistic3A_36, %logistic3A_34 : vector<4096x128xf32>
    %logistic3A_38 = arith.divf %logistic3A_36, %logistic3A_37 : vector<4096x128xf32>
    %mul3A_39 = arith.mulf %add3A_32, %logistic3A_38 : vector<4096x128xf32>
    %get3A_40 = arith.constant 0 : index
    %get3A_41 = arith.constant 0 : index
    %get3A_42 = vector.load %arg9[%get3A_40, %get3A_41] : memref<128x1xf32, #tpu.memory_space<vmem>>, vector<128x1xf32>
    %dot_general3A_43 = arith.constant dense<0.000000e+00> : vector<4096x1xf32>
    %dot_general3A_44 = tpu.matmul %mul3A_39, %get3A_42, %dot_general3A_43 {dimension_numbers = #tpu.dot_dimension_numbers<[1], [0], [0], [1], [0, 0, 1, 1], [], []>, transpose_lhs_hint = false} : vector<4096x128xf32>, vector<128x1xf32>, vector<4096x1xf32> -> vector<4096x1xf32>
    %get3A_45 = arith.constant 0 : index
    %get3A_46 = arith.constant 0 : index
    %get3A_47 = vector.load %arg10[%get3A_45, %get3A_46] : memref<1x1xf32, #tpu.memory_space<vmem>>, vector<1x1xf32>
    %add3A_48 = vector.broadcast %get3A_47 : vector<1x1xf32> to vector<4096x1xf32>
    %add3A_49 = arith.addf %dot_general3A_44, %add3A_48 : vector<4096x1xf32>
    %logistic3A_50 = arith.negf %add3A_49 : vector<4096x1xf32>
    %logistic3A_51 = math.exp %logistic3A_50 : vector<4096x1xf32>
    %logistic3A_52 = arith.constant 1.000000e+00 : f32
    %logistic3A_53 = vector.broadcast %logistic3A_52 : f32 to vector<4096x1xf32>
    %logistic3A_54 = arith.addf %logistic3A_53, %logistic3A_51 : vector<4096x1xf32>
    %logistic3A_55 = arith.divf %logistic3A_53, %logistic3A_54 : vector<4096x1xf32>
    %get3A_56 = arith.constant 0 : index
    %get3A_57 = arith.constant 0 : index
    %get3A_58 = vector.load %arg4[%get3A_56, %get3A_57] : memref<4096x1xf32, #tpu.memory_space<vmem>>, vector<4096x1xf32>
    %mul3A_59 = arith.mulf %logistic3A_55, %get3A_58 : vector<4096x1xf32>
    %mul3A_60 = vector.broadcast %mul3A_59 : vector<4096x1xf32> to vector<4096x128xf32>
    %mul3A_61 = arith.mulf %mul3A_39, %mul3A_60 : vector<4096x128xf32>
    %swap3A = arith.constant 0 : index
    %swap3A_62 = arith.constant 0 : index
    %swap3A_63 = vector.load %arg11[%swap3A, %swap3A_62] : memref<4096x128xf32, #tpu.memory_space<vmem>>, vector<4096x128xf32>
    tpu.vector_store %arg11[%swap3A, %swap3A_62], %mul3A_61 {strides = array<i32>} : memref<4096x128xf32, #tpu.memory_space<vmem>>, vector<4096x128xf32>,
    return
  }
  func.func @transform_0(%arg0: i32) -> (i32, i32) {
    %c0_i32 = arith.constant 0 : i32
    %c0_i32_0 = arith.constant 0 : i32
    return %arg0, %c0_i32 : i32, i32
  }
  func.func @transform_1(%arg0: i32) -> (i32, i32) {
    %c0_i32 = arith.constant 0 : i32
    %c0_i32_0 = arith.constant 0 : i32
    return %arg0, %c0_i32 : i32, i32
  }
  func.func @transform_2(%arg0: i32) -> (i32, i32) {
    %c0_i32 = arith.constant 0 : i32
    %c0_i32_0 = arith.constant 0 : i32
    return %arg0, %c0_i32 : i32, i32
  }
  func.func @transform_3(%arg0: i32) -> (i32, i32) {
    %c0_i32 = arith.constant 0 : i32
    %c0_i32_0 = arith.constant 0 : i32
    return %arg0, %c0_i32 : i32, i32
  }
  func.func @transform_4(%arg0: i32) -> (i32, i32) {
    %c0_i32 = arith.constant 0 : i32
    %c0_i32_0 = arith.constant 0 : i32
    %c0_i32_1 = arith.constant 0 : i32
    return %c0_i32, %c0_i32_0 : i32, i32
  }
  func.func @transform_5(%arg0: i32) -> (i32, i32) {
    %c0_i32 = arith.constant 0 : i32
    %c0_i32_0 = arith.constant 0 : i32
    %c0_i32_1 = arith.constant 0 : i32
    return %c0_i32, %c0_i32_0 : i32, i32
  }
  func.func @transform_6(%arg0: i32) -> (i32, i32) {
    %c0_i32 = arith.constant 0 : i32
    %c0_i32_0 = arith.constant 0 : i32
    %c0_i32_1 = arith.constant 0 : i32
    return %c0_i32, %c0_i32_0 : i32, i32
  }
  func.func @transform_7(%arg0: i32) -> (i32, i32) {
    %c0_i32 = arith.constant 0 : i32
    %c0_i32_0 = arith.constant 0 : i32
    %c0_i32_1 = arith.constant 0 : i32
    return %c0_i32, %c0_i32_0 : i32, i32
  }
  func.func @transform_8(%arg0: i32) -> (i32, i32) {
    %c0_i32 = arith.constant 0 : i32
    %c0_i32_0 = arith.constant 0 : i32
    %c0_i32_1 = arith.constant 0 : i32
    return %c0_i32, %c0_i32_0 : i32, i32
  }
  func.func @transform_9(%arg0: i32) -> (i32, i32) {
    %c0_i32 = arith.constant 0 : i32
    %c0_i32_0 = arith.constant 0 : i32
    %c0_i32_1 = arith.constant 0 : i32
    return %c0_i32, %c0_i32_0 : i32, i32
  }
  func.func @transform_10(%arg0: i32) -> (i32, i32) {
    %c0_i32 = arith.constant 0 : i32
    %c0_i32_0 = arith.constant 0 : i32
    return %arg0, %c0_i32 : i32, i32
  }
}

module attributes {stable_mosaic.version = 14 : i64} {
  func.func @_node_update_body(%arg0: memref<10000x128xf32, #tpu.memory_space<vmem>>, %arg1: memref<10000x128xf32, #tpu.memory_space<vmem>>, %arg2: memref<10000x128xf32, #tpu.memory_space<vmem>>, %arg3: memref<10000x1xf32, #tpu.memory_space<vmem>>, %arg4: memref<128x128xf32, #tpu.memory_space<vmem>>, %arg5: memref<128x128xf32, #tpu.memory_space<vmem>>, %arg6: memref<1x128xf32, #tpu.memory_space<vmem>>, %arg7: memref<128x128xf32, #tpu.memory_space<vmem>>, %arg8: memref<1x128xf32, #tpu.memory_space<vmem>>, %arg9: memref<10000x128xf32, #tpu.memory_space<vmem>>) attributes {dimension_semantics = [], scalar_prefetch = 0 : i64, scratch_operands = 0 : i64, tpu.core_type = #tpu.core_type<tc>} {
    %get3A = arith.constant 0 : index
    %get3A_0 = arith.constant 0 : index
    %get3A_1 = vector.load %arg0[%get3A, %get3A_0] : memref<10000x128xf32, #tpu.memory_space<vmem>>, vector<10000x128xf32>
    %get3A_2 = arith.constant 0 : index
    %get3A_3 = arith.constant 0 : index
    %get3A_4 = vector.load %arg1[%get3A_2, %get3A_3] : memref<10000x128xf32, #tpu.memory_space<vmem>>, vector<10000x128xf32>
    %get3A_5 = arith.constant 0 : index
    %get3A_6 = arith.constant 0 : index
    %get3A_7 = vector.load %arg2[%get3A_5, %get3A_6] : memref<10000x128xf32, #tpu.memory_space<vmem>>, vector<10000x128xf32>
    %add3A = arith.addf %get3A_4, %get3A_7 : vector<10000x128xf32>
    %get3A_8 = arith.constant 0 : index
    %get3A_9 = arith.constant 0 : index
    %get3A_10 = vector.load %arg4[%get3A_8, %get3A_9] : memref<128x128xf32, #tpu.memory_space<vmem>>, vector<128x128xf32>
    %dot_general3A = arith.constant dense<0.000000e+00> : vector<10000x128xf32>
    %dot_general3A_11 = tpu.matmul %get3A_1, %get3A_10, %dot_general3A {dimension_numbers = #tpu.dot_dimension_numbers<[1], [0], [0], [1], [0, 0, 1, 1], [], []>, transpose_lhs_hint = false} : vector<10000x128xf32>, vector<128x128xf32>, vector<10000x128xf32> -> vector<10000x128xf32>
    %get3A_12 = arith.constant 0 : index
    %get3A_13 = arith.constant 0 : index
    %get3A_14 = vector.load %arg5[%get3A_12, %get3A_13] : memref<128x128xf32, #tpu.memory_space<vmem>>, vector<128x128xf32>
    %dot_general3A_15 = arith.constant dense<0.000000e+00> : vector<10000x128xf32>
    %dot_general3A_16 = tpu.matmul %add3A, %get3A_14, %dot_general3A_15 {dimension_numbers = #tpu.dot_dimension_numbers<[1], [0], [0], [1], [0, 0, 1, 1], [], []>, transpose_lhs_hint = false} : vector<10000x128xf32>, vector<128x128xf32>, vector<10000x128xf32> -> vector<10000x128xf32>
    %add3A_17 = arith.addf %dot_general3A_11, %dot_general3A_16 : vector<10000x128xf32>
    %get3A_18 = arith.constant 0 : index
    %get3A_19 = arith.constant 0 : index
    %get3A_20 = vector.load %arg6[%get3A_18, %get3A_19] : memref<1x128xf32, #tpu.memory_space<vmem>>, vector<1x128xf32>
    %add3A_21 = vector.broadcast %get3A_20 : vector<1x128xf32> to vector<10000x128xf32>
    %add3A_22 = arith.addf %add3A_17, %add3A_21 : vector<10000x128xf32>
    %logistic3A = arith.negf %add3A_22 : vector<10000x128xf32>
    %logistic3A_23 = math.exp %logistic3A : vector<10000x128xf32>
    %logistic3A_24 = arith.constant 1.000000e+00 : f32
    %logistic3A_25 = vector.broadcast %logistic3A_24 : f32 to vector<10000x128xf32>
    %logistic3A_26 = arith.addf %logistic3A_25, %logistic3A_23 : vector<10000x128xf32>
    %logistic3A_27 = arith.divf %logistic3A_25, %logistic3A_26 : vector<10000x128xf32>
    %mul3A = arith.mulf %add3A_22, %logistic3A_27 : vector<10000x128xf32>
    %get3A_28 = arith.constant 0 : index
    %get3A_29 = arith.constant 0 : index
    %get3A_30 = vector.load %arg7[%get3A_28, %get3A_29] : memref<128x128xf32, #tpu.memory_space<vmem>>, vector<128x128xf32>
    %dot_general3A_31 = arith.constant dense<0.000000e+00> : vector<10000x128xf32>
    %dot_general3A_32 = tpu.matmul %mul3A, %get3A_30, %dot_general3A_31 {dimension_numbers = #tpu.dot_dimension_numbers<[1], [0], [0], [1], [0, 0, 1, 1], [], []>, transpose_lhs_hint = false} : vector<10000x128xf32>, vector<128x128xf32>, vector<10000x128xf32> -> vector<10000x128xf32>
    %get3A_33 = arith.constant 0 : index
    %get3A_34 = arith.constant 0 : index
    %get3A_35 = vector.load %arg8[%get3A_33, %get3A_34] : memref<1x128xf32, #tpu.memory_space<vmem>>, vector<1x128xf32>
    %add3A_36 = vector.broadcast %get3A_35 : vector<1x128xf32> to vector<10000x128xf32>
    %add3A_37 = arith.addf %dot_general3A_32, %add3A_36 : vector<10000x128xf32>
    %add3A_38 = arith.addf %get3A_1, %add3A_37 : vector<10000x128xf32>
    %get3A_39 = arith.constant 0 : index
    %get3A_40 = arith.constant 0 : index
    %get3A_41 = vector.load %arg3[%get3A_39, %get3A_40] : memref<10000x1xf32, #tpu.memory_space<vmem>>, vector<10000x1xf32>
    %mul3A_42 = vector.broadcast %get3A_41 : vector<10000x1xf32> to vector<10000x128xf32>
    %mul3A_43 = arith.mulf %add3A_38, %mul3A_42 : vector<10000x128xf32>
    %swap3A = arith.constant 0 : index
    %swap3A_44 = arith.constant 0 : index
    %swap3A_45 = vector.load %arg9[%swap3A, %swap3A_44] : memref<10000x128xf32, #tpu.memory_space<vmem>>, vector<10000x128xf32>
    tpu.vector_store %arg9[%swap3A, %swap3A_44], %mul3A_43 {strides = array<i32>} : memref<10000x128xf32, #tpu.memory_space<vmem>>, vector<10000x128xf32>,
    return
  }
}

</mosaic_0001>

<sc_bundles>
// kernel: kernel.10.cloned.1.call-start
scs
__scs_entry_jumppad:
0x0: {  	(pc) =	sbr.rel $0x88, $3  }
0x1: {  	(tag) =	ssettag $0x0;
	lr =	simm.s32 $0x1  }
0x2: {  	[smem:$0x3F92] =	sst lr;
	_ =	strace $0xD0000000  }
0x3: {  	_ = 	snop  }
0x4: {  	_ = 	snop  }
0x5: {  	_ = 	snop  }
0x6: {  	_ = 	snop  }
0x7: {  	_ = 	snop  }
__scs_overlays_trampoline_lowered:
0x8: {  	[smem:$0x3FA1] =	sst s0  }
0x9: {  	[smem:$0x3FA2] =	sst s1  }
0xa: {  	[smem:$0x3FA3] =	sst s2  }
0xb: {  	[smem:$0x3FA4] =	sst s3  }
0xc: {  	[smem:$0x3FA5] =	sst s4  }
0xd: {  	[smem:$0x3FA6] =	sst s5  }
0xe: {  	[smem:$0x3FA7] =	sst s6  }
0xf: {  	[smem:$0x3FA8] =	sst s7  }
0x10: {  	[smem:$0x3FA9] =	sst s8  }
0x11: {  	[smem:$0x3FAA] =	sst s9;
	s0 =	simm.s32 @!p0 $0x0  }
0x12: {  	s1 =	sld [smem:$0x3F90];
	s0 =	simm.s32 @p0 $0x1  }
0x13: {  	[smem:$0x3FAB] =	sst s0;
	s0 =	simm.s32 @!p1 $0x0  }
0x14: {  	s2 =	sld [smem:$0x3F8F];
	s0 =	simm.s32 @p1 $0x1  }
0x15: {  	[smem:$0x3FAC] =	sst s0;
	s0 =	simm.s32 @!p2 $0x0  }
0x16: {  	s3 =	sld [smem:$0x3FDB];
	s0 =	simm.s32 @p2 $0x1  }
0x17: {  	s4 =	simm.s32 $0x1BF5;
	[smem:$0x3FAE] =	sst s0  }
0x18: {  	s0 =	sld [smem:$0x3F91];
	_ =	swait.ge [sflag:s4], $0x0  }
0x19: {  	s7 =	sld [smem:$0x3F92]  }
0x1a: {  	s8 =	sadd.s32 $0xFFFFE003, lr  }
0x1b: {  	s9 =	sadd.s32 $0xFFFFFEF7, lr;
	s5 =	simm.s32 $0xFFFFFFFF;
	p2 =	slt.u32 s8, $0xFFFFF086  }
0x1c: {  	p1 =	slt.u32 s9, $0xF7A;
	s5 =	simm.s32 @!p2 $0x0  }
0x1d: {  	s5 =	simm.s32 @p1 $0x1;
	p0 =	seq.s32 s7, s2  }
0x1e: {  	s7 =	smul.u32 @!p0 $0xF7A, s2;
	p2 =	seq.s32 @!p0 s5, $0x0  }
0x1f: {  	s9 =	smul.u32 $0xF7A, s1;
	s8 =	simm.s32 @!p0 $0x1BF5;
	p2 =	por !p2, p0  }
0x20: {  	[sflag:s8] =	ssyncset.s32 @!p0 $0xFFFFF086;
	s6 =	sadd.s32 @!p0 s3, s7;
	s7 =	simm.s32 @!p0 $0x108  }
0x21: {  	s3 =	sadd.s32 s3, s9;
	s6 =	sadd.s32 @!p0 $0x88, s6;
	s7 =	simm.s32 @p2 $0x1082  }
0x22: {  	[simem:s7], [sflag:s8] =	dma.local @!p0 [hbm:s6], $0xF7A  }
0x23: {  	s9 =	sor.u32 $0xD0000000, s2;
	s6 =	simm.s32 $0x108;
	_ =	swait.ge @!p0 [sflag:s8], $0x0  }
0x24: {  	s3 =	sadd.s32 $0x88, s3;
	s6 =	simm.s32 @!p1 $0x1082;
	[sflag:s4] =	ssyncset.s32 $0xFFFFF086  }
0x25: {  	[simem:s6], [sflag:s4] =	dma.local [hbm:s3], $0xF7A  }
0x26: {  	[smem:$0x3F92] =	sst s1;
	(tag) =	ssettag s2;
	_ =	strace s9  }
0x27: {  	s1 =	sld [smem:$0x3FA2]  }
0x28: {  	s2 =	sld [smem:$0x3FA3]  }
0x29: {  	s4 =	sld [smem:$0x3FA5]  }
0x2a: {  	p0 =	seq.s32 s5, $0x0;
	s5 =	sld [smem:$0x3FA6]  }
0x2b: {  	s6 =	sld [smem:$0x3FA7]  }
0x2c: {  	s7 =	sld [smem:$0x3FA8]  }
0x2d: {  	s3 =	simm.s32 $0x108;
	s8 =	sld [smem:$0x3FA9]  }
0x2e: {  	s3 =	simm.s32 @!p0 $0x1082;
	s9 =	sld [smem:$0x3FAA]  }
0x2f: {  	lr =	sadd.s32 s0, s3;
	s0 =	sld [smem:$0x3FA1]  }
0x30: {  	s3 =	sld [smem:$0x3FA4]  }
0x31: {  	[smem:$0x3FAD] =	sst s10  }
0x32: {  	s10 =	sld [smem:$0x3FAB];
	_ =	sdelay $0x3  }
0x33: {  	p0 =	seq.s32 s10, $0x1;
	s10 =	sld [smem:$0x3FAD];
	_ =	sdelay $0x3  }
0x34: {  	[smem:$0x3FAD] =	sst s10  }
0x35: {  	s10 =	sld [smem:$0x3FAC];
	_ =	sdelay $0x3  }
0x36: {  	p1 =	seq.s32 s10, $0x1;
	s10 =	sld [smem:$0x3FAD];
	_ =	sdelay $0x3  }
0x37: {  	[smem:$0x3FAD] =	sst s10  }
0x38: {  	s10 =	sld [smem:$0x3FAE]  }
0x39: {  	_ = 	snop;
	(pc) =	sbr.ind lr, $3  }
0x3a: {  	_ = 	snop  }
0x3b: {  	_ = 	snop  }
0x3c: {  	p2 =	seq.s32 s10, $0x1;
	s10 =	sld [smem:$0x3FAD]  }
0x3d: {  	_ =	shalt  }
0x3e: {  	_ =	shalt  }
0x3f: {  	_ =	shalt  }
0x40: {  	_ =	shalt  }
0x41: {  	_ =	shalt  }
0x42: {  	_ =	shalt  }
0x43: {  	_ =	shalt  }
0x44: {  	_ =	shalt  }
0x45: {  	_ =	shalt  }
0x46: {  	_ =	shalt  }
0x47: {  	_ =	shalt  }
0x48: {  	_ =	shalt  }
0x49: {  	_ =	shalt  }
0x4a: {  	_ =	shalt  }
0x4b: {  	_ =	shalt  }
0x4c: {  	_ =	shalt  }
0x4d: {  	_ =	shalt  }
0x4e: {  	_ =	shalt  }
0x4f: {  	_ =	shalt  }
0x50: {  	_ =	shalt  }
0x51: {  	_ =	shalt  }
0x52: {  	_ =	shalt  }
0x53: {  	_ =	shalt  }
0x54: {  	_ =	shalt  }
0x55: {  	_ =	shalt  }
0x56: {  	_ =	shalt  }
0x57: {  	_ =	shalt  }
0x58: {  	_ =	shalt  }
0x59: {  	_ =	shalt  }
0x5a: {  	_ =	shalt  }
0x5b: {  	_ =	shalt  }
0x5c: {  	_ =	shalt  }
0x5d: {  	_ =	shalt  }
0x5e: {  	_ =	shalt  }
0x5f: {  	_ =	shalt  }
0x60: {  	_ =	shalt  }
0x61: {  	_ =	shalt  }
0x62: {  	_ =	shalt  }
0x63: {  	_ =	shalt  }
0x64: {  	_ =	shalt  }
0x65: {  	_ =	shalt  }
0x66: {  	_ =	shalt  }
0x67: {  	_ =	shalt  }
0x68: {  	_ =	shalt  }
0x69: {  	_ =	shalt  }
0x6a: {  	_ =	shalt  }
0x6b: {  	_ =	shalt  }
0x6c: {  	_ =	shalt  }
0x6d: {  	_ =	shalt  }
0x6e: {  	_ =	shalt  }
0x6f: {  	_ =	shalt  }
0x70: {  	_ =	shalt  }
0x71: {  	_ =	shalt  }
0x72: {  	_ =	shalt  }
0x73: {  	_ =	shalt  }
0x74: {  	_ =	shalt  }
0x75: {  	_ =	shalt  }
0x76: {  	_ =	shalt  }
0x77: {  	_ =	shalt  }
0x78: {  	_ =	shalt  }
0x79: {  	_ =	shalt  }
0x7a: {  	_ =	shalt  }
0x7b: {  	_ =	shalt  }
0x7c: {  	_ =	shalt  }
0x7d: {  	_ =	shalt  }
0x7e: {  	_ =	shalt  }
0x7f: {  	_ =	shalt  }
0x80: {  	_ =	shalt  }
0x81: {  	_ =	shalt  }
0x82: {  	_ =	shalt  }
0x83: {  	_ =	shalt  }
0x84: {  	_ =	shalt  }
0x85: {  	_ =	shalt  }
0x86: {  	_ =	shalt  }
0x87: {  	_ =	shalt  }
.Lfunc_end0:
.L_simem_size_0:
called_computation.1_lowered:
.L_overlay_start_0:
0x88: {  	s2 =	sld [smem:$0x3FD9]  }
0x89: {  	s3 =	sld [smem:$0x3FFE];
	_ =	sdelay $0x1  }
0x8a: {  	s1 =	srdreg.scid  }
0x8b: {  	s0 =	sand.u32 $0x1, s1  }
0x8c: {  	s17 =	sshll.u32 s0, $0xA;
	s2 =	sadd.s32 s3, s2  }
0x8d: {  	s2 =	sadd.s32 s2, s17  }
0x8e: {  	[smem:$0x3FB9] =	sst s2  }
0x8f: {  	_ = 	snop  }
0x90: {  	s2 =	sld [smem:$0x3FD0];
	(tm) =	ssettm $0x1  }
0x91: {  	s18 =	sld [smem:$0x3FFB];
	_ =	sdelay $0x3  }
0x92: {  	_ =	strace s18  }
0x93: {  	s3 =	sld [smem:$0x3FFC];
	_ =	sdelay $0x3  }
0x94: {  	_ =	strace s3  }
0x95: {  	s3 =	sld [smem:$0x3FFD];
	_ =	sdelay $0x3  }
0x96: {  	_ =	strace s3  }
0x97: {  	_ =	strace $0x8FFFFFFF  }
0x98: {  	s19 =	sld [smem:$0x3FDB];
	_ =	sdelay $0x1  }
0x99: {  	s4 =	simm.s32 $_scs_section_size  }
0x9a: {  	s5 =	simm.s32 $_size__tile_overlayer_lowered;
	s6 =	simm.s32 $_tile_overlayer_lowered  }
0x9b: {  	s22 =	simm.s32 $0x1BFF;
	s21 =	sshll.u32 s6, $0x1;
	s3 =	sadd.s32 s4, s19  }
0x9c: {  	s7 =	simm.s32 $0x0;
	s20 =	sshll.u32 s5, $0x1;
	s5 =	sadd.s32 s21, s3  }
0x9d: {  	[timem:s7], [sflag:s22] =	dma.local [hbm:s5], s20  }
0x9e: {  	_ =	swait.ge [sflag:s22], s20  }
0x9f: {  	s4 =	ssub.s32 $0x0, s20;
	[sflag:s22] =	ssyncset.done $0x0  }
0xa0: {  	[sflag:s22] =	ssyncadd.s32 s4;
	_ =	sdelay $0x1  }
0xa1: {  	s23 =	simm.s32 $0x1B8B  }
0xa2: {  	_ =	swait.ge [sflag:s23], $0x1  }
0xa3: {  	[sflag:s23] =	ssyncset.done $0x0  }
0xa4: {  	s25 =	simm.s32 $0x1B8E;
	s24 =	sld [smem:$0x3FFE];
	[sflag:s23] =	ssyncadd.s32 $0xFFFFFFFF  }
0xa5: {  	s26 =	simm.s32 $execute0_lowered;
	[smem:$0x3FD2] =	sst s25  }
0xa6: {  	s5 =	sshll.u32 s26, $0x1;
	_ =	strace $0x80000049;
	[dreg:$0x1] =	wrdreg $0xFFFFFFFF  }
0xa7: {  	s28 =	simm.s32 $_size_execute0_lowered;
	s3 =	sadd.s32 s3, s5;
	[dreg:$0x0] =	wrdreg $0x0  }
0xa8: {  	s5 =	sshll.u32 s28, $0x1;
	[dreg:$0x2] =	wrdreg s3  }
0xa9: {  	[dreg:$0x3] =	wrdreg s5  }
0xaa: {  	[dreg:$0x4] =	wrdreg $0xC0  }
0xab: {  	_ =	task [dreg:s7], $0x5FFFF  }
0xac: {  	[dreg:$0x1] =	wrdreg $0xFFFFFFFF  }
0xad: {  	[dreg:$0x0] =	wrdreg $0x60  }
0xae: {  	[dreg:$0x2] =	wrdreg s24  }
0xaf: {  	[dreg:$0x3] =	wrdreg s2  }
0xb0: {  	[dreg:$0x4] =	wrdreg $0x68000  }
0xb1: {  	[dreg:$0x5] =	wrdreg $0x9  }
0xb2: {  	_ =	task.clear_ibuf [dreg:s7], $0x6FFFF;
	_ =	strace $0x90000049  }
0xb3: {  	s29 =	simm.s32 $0x9;
	_ =	strace $0x8000004B  }
0xb4: {  	_ =	swait.ge [sflag:s29], $0x1  }
0xb5: {  	[sflag:s29] =	ssyncadd.s32 $0xFFFFFFFF  }
0xb6: {  	_ =	strace $0x9000004B  }
0xb7: {  	_ =	sfence  }
0xb8: {  	s30 =	sld [smem:$0x0];
	_ =	sdelay $0x2  }
0xb9: {  	s31 =	sshll.u32 s1, $0xD;
	s1 =	sshrl.u32 s1, $0x2  }
0xba: {  	s3 =	sand.u32 $0x4000, s31;
	s1 =	sadd.s32 s1, s30  }
0xbb: {  	s0 =	sor.u32 s3, s0;
	s1 =	sshll.u32 s1, $0x11  }
0xbc: {  	s0 =	sor.u32 s1, s0  }
0xbd: {  	s0 =	sadd.s32 $0x8F2B, s0  }
0xbe: {  	[sflag:s0] =	ssyncadd.remote.s32 $0x1  }
0xbf: {  	_ =	sfence.sel $0xFFFF  }
0xc0: {  	[dreg:$0x0] =	wrdreg $0xFFFFFFFF;
	(pc) =	sbr.abs _section_cstart, $3  }
0xc1: {  	[dreg:$0x1] =	wrdreg $0xFFFFFFFF  }
0xc2: {  	_ =	task.clear_ibuf [dreg:s7], $0x2FFFF;
	_ =	strace $0x9FFFFFFF  }
0xc3: {  	(tm) =	ssettm $0x7FFFFFFF  }
tec
execute0_lowered:
.L_overlay_start_1:
0x0: {  	(tag) =	ssettag $0x1  }
0x1: {  	s5 =	rddreg [dreg:$0x0]  }
0x2: {  	s1 =	rddreg [dreg:$0x1]  }
0x3: {  	s3 =	rddreg [dreg:$0x2]  }
0x4: {  	s0 =	rddreg [dreg:$0x3];
	s4 =	simm.s32 $0x0;
	s2 =	stileid.u32  }
0x5: {  	s7 =	srdreg.scid;
	s14 =	simm.s32 $0x0;
	s6 =	smul.u32 $0x50000, s2  }
0x6: {  	[smem:$0x7FF] =	sst s4;
	s7 =	sand.u32 $0x1, s7;
	s9 =	smul.u32 $0x2780, s2  }
0x7: {  	s8 =	sshll.u32 s2, $0x1;
	s12 =	smul.u32 $0x4F000, s2;
	s29 =	sshll.u32 s2, $0x6  }
0x8: {  	_ =	strace $0x8000004A;
	s8 =	sor.u32 s7, s8;
	s10 =	smul.u32 $0x27800, s7  }
0x9: {  	s25 =	ssub.s32 $0x2, s7;
	s30 =	smul.u32 $0x28000, s7;
	s11 =	sadd.s32 s6, s5  }
0xa: {  	s24 =	smul.u32 $0x500, s8;
	s26 =	sshrl.u32 s25, $0x1;
	s28 =	sshrl.u32 s12, $0x2  }
0xb: {  	s12 =	simm.s32 $0x2800;
	s9 =	sadd.s32 s9, s10;
	s8 =	ssub.s32 s25, s26  }
0xc: {  	s13 =	sadd.s32 s28, s3;
	s31 =	sadd.s32 s30, s11;
	s11 =	simm.s32 $0x1  }
0xd: {  	s6 =	sadd.s32 s24, s5;
	s9 =	sadd.s32 s9, s5;
	s5 =	sor.u32 $0x1C01, s29  }
0xe: {  	s8 =	smax.u32 s8, $0x1;
	s10 =	sshrl.u32 s13, $0x3;
	s13 =	simm.s32 $0x80  }
0xf: {  	s6 =	sadd.s32 $0xE800, s6;
	s7 =	sadd.s32 $0x18800, s9;
	s9 =	sadd.s32 $0xA3FE00, s31  }
.LBB2_1:
0x10: {  	[spmem:s10], [sflag:s5] =	dma.local [hbm:s1], $0x2780  }
0x11: {  	_ =	swait.ge [sflag:s11], $0x2780  }
0x12: {  	[sflag:s11] =	ssyncset.done $0x0  }
0x13: {  	[sflag:s11] =	ssyncadd.s32 $0xFFFFD880  }
0x14: {  	[bflag:$0x0] =	sbarrier.arrive $0xFFFF  }
0x15: {  	[tilespmem:s4], [sflag:$0x1] =	stream.linear.gather [hbm4b:s6+s4], $0x2800, $0x38;
	[tilespmem:$0x1A400] =	vst v63  }
0x16: {  	_ =	swait.ge [sflag:s11], $0x2800  }
0x17: {  	[sflag:s11] =	ssyncset.done $0x0  }
0x18: {  	[sflag:s11] =	ssyncadd.s32 $0xFFFFD800  }
0x19: {  	[tilespmem:s12], [sflag:$0x1] =	stream.linear.gather [hbm4b:s9+s4], $0x4000, $0x38;
	[tilespmem:$0x1A400] =	vst v63  }
0x1a: {  	_ =	swait.ge [sflag:s11], $0x4000  }
0x1b: {  	[sflag:s11] =	ssyncset.done $0x0  }
0x1c: {  	s15 =	simm.s32 $0x0;
	[sflag:s11] =	ssyncadd.s32 $0xFFFFC000  }
0x1d: {  	[spmem:s3] =	stream.indirect.scatter.add.f32 [tilespmem:s12], [sflag:$0x1], $0x80, s15, s13, $0xb8;
	[tilespmem:$0x1A400] =	vst v63  }
0x1e: {  	_ =	swait.ge [sflag:s11], $0x4000  }
0x1f: {  	s16 =	smov.u32 s9;
	s15 =	simm.s32 $0x200;
	[sflag:s11] =	ssyncset.done $0x0  }
.LBB2_2:
0x20: {  	p0 =	sne.s32 s15, $0x9E00;
	[sflag:s11] =	ssyncadd.s32 $0xFFFFC000;
	s16 =	sadd.s32 $0x800, s16  }
0x21: {  	[tilespmem:s12], [sflag:$0x1] =	stream.linear.gather [hbm4b:s16+s4], $0x4000, $0x38;
	[tilespmem:$0x1A400] =	vst v63  }
0x22: {  	s17 =	smov.u32 s15;
	s15 =	sadd.s32 $0x200, s15;
	_ =	swait.ge [sflag:s11], $0x4000  }
.Ltmp0:
0x23: {  	[sflag:s11] =	ssyncset.done $0x0;
	(pc) =	sbr.rel @p0 .LBB2_2-.Ltmp0, $4  }
0x24: {  	s17 =	sshra.s32 s17, $0x2;
	[sflag:s11] =	ssyncadd.s32 $0xFFFFC000  }
0x25: {  	[spmem:s3] =	stream.indirect.scatter.add.f32 [tilespmem:s12], [sflag:$0x1], $0x80, s17, s13, $0xb8;
	[tilespmem:$0x1A400] =	vst v63  }
0x26: {  	_ =	swait.ge [sflag:s11], $0x4000  }
0x27: {  	[sflag:s11] =	ssyncset.done $0x0  }
0x28: {  	s14 =	sadd.s32 $0x1, s14  }
0x29: {  	[sflag:s11] =	ssyncadd.s32 $0xFFFFC000;
	p0 =	sne.s32 s14, s8  }
.Ltmp1:
0x2a: {  	[bflag:$0x0] =	sbarrier.arrive $0xFFFF;
	(pc) =	sbr.rel @p0 .LBB2_1-.Ltmp1, $4  }
0x2b: {  	[hbm:s7], [sflag:s5] =	dma.local [spmem:s10], $0x2780  }
0x2c: {  	_ =	swait.ge [sflag:s11], $0x2780  }
0x2d: {  	[sflag:s11] =	ssyncset.done $0x0  }
0x2e: {  	[sflag:s11] =	ssyncadd.s32 $0xFFFFD880  }
0x2f: {  	_ =	sfence.sel $0x180000  }
0x30: {  	[bflag:$0x0] =	sbarrier.arrive $0xFFFF  }
0x31: {  	p0 =	sne.s32 s2, $0x0;
	_ =	strace $0x9000004A  }
0x32: {  	s0 =	sadd.s32 @!p0 $0x100000, s0;
	[bflag:$0x2] =	sbarrier.arrive $0xFFFF  }
0x33: {  	[sflag:s0] =	ssyncadd.tile.s32 @!p0 $0x1;
	_ =	shalt  }
.Lfunc_end2:
_tile_overlayer_lowered:
.L_overlay_start_2:
0x34: {  	(tag) =	ssettag $0x2  }
0x35: {  	s0 =	rddreg [dreg:$0x0];
	s2 =	stileid.u32  }
0x36: {  	s1 =	rddreg [dreg:$0x1];
	p0 =	sne.s32 s2, $0x0  }
0x37: {  	s3 =	rddreg [dreg:$0x2];
	[bflag:$0x3] =	sbarrier.arrive $0xFFFF;
	s2 =	simm.s32 @!p0 $0x1C01  }
0x38: {  	[timem:s3], [sflag:s2] =	dma.local @!p0 [hbm:s0], s1  }
0x39: {  	s0 =	simm.s32 @!p0 $0x1  }
0x3a: {  	_ =	swait.ge @!p0 [sflag:s0], s1  }
0x3b: {  	s1 =	ssub.s32 @!p0 $0x0, s1;
	[sflag:s0] =	ssyncset.done @!p0 $0x0  }
0x3c: {  	[sflag:s0] =	ssyncadd.s32 @!p0 s1  }
0x3d: {  	[bflag:$0x3] =	sbarrier.arrive $0xFFFF  }
0x3e: {  	_ =	shalt  }

// kernel: kernel.7.cloned.1.call-start
scs
__scs_entry_jumppad:
0x0: {  	(pc) =	sbr.rel $0x88, $3  }
0x1: {  	(tag) =	ssettag $0x0;
	lr =	simm.s32 $0x1  }
0x2: {  	[smem:$0x3F92] =	sst lr;
	_ =	strace $0xD0000000  }
0x3: {  	_ = 	snop  }
0x4: {  	_ = 	snop  }
0x5: {  	_ = 	snop  }
0x6: {  	_ = 	snop  }
0x7: {  	_ = 	snop  }
__scs_overlays_trampoline_lowered:
0x8: {  	[smem:$0x3FA1] =	sst s0  }
0x9: {  	[smem:$0x3FA2] =	sst s1  }
0xa: {  	[smem:$0x3FA3] =	sst s2  }
0xb: {  	[smem:$0x3FA4] =	sst s3  }
0xc: {  	[smem:$0x3FA5] =	sst s4  }
0xd: {  	[smem:$0x3FA6] =	sst s5  }
0xe: {  	[smem:$0x3FA7] =	sst s6  }
0xf: {  	[smem:$0x3FA8] =	sst s7  }
0x10: {  	[smem:$0x3FA9] =	sst s8  }
0x11: {  	[smem:$0x3FAA] =	sst s9;
	s0 =	simm.s32 @!p0 $0x0  }
0x12: {  	s1 =	sld [smem:$0x3F90];
	s0 =	simm.s32 @p0 $0x1  }
0x13: {  	[smem:$0x3FAB] =	sst s0;
	s0 =	simm.s32 @!p1 $0x0  }
0x14: {  	s2 =	sld [smem:$0x3F8F];
	s0 =	simm.s32 @p1 $0x1  }
0x15: {  	[smem:$0x3FAC] =	sst s0;
	s0 =	simm.s32 @!p2 $0x0  }
0x16: {  	s3 =	sld [smem:$0x3FDB];
	s0 =	simm.s32 @p2 $0x1  }
0x17: {  	s4 =	simm.s32 $0x1BF5;
	[smem:$0x3FAE] =	sst s0  }
0x18: {  	s0 =	sld [smem:$0x3F91];
	_ =	swait.ge [sflag:s4], $0x0  }
0x19: {  	s7 =	sld [smem:$0x3F92]  }
0x1a: {  	s8 =	sadd.s32 $0xFFFFE003, lr  }
0x1b: {  	s9 =	sadd.s32 $0xFFFFFEF7, lr;
	s5 =	simm.s32 $0xFFFFFFFF;
	p2 =	slt.u32 s8, $0xFFFFF086  }
0x1c: {  	p1 =	slt.u32 s9, $0xF7A;
	s5 =	simm.s32 @!p2 $0x0  }
0x1d: {  	s5 =	simm.s32 @p1 $0x1;
	p0 =	seq.s32 s7, s2  }
0x1e: {  	s7 =	smul.u32 @!p0 $0xF7A, s2;
	p2 =	seq.s32 @!p0 s5, $0x0  }
0x1f: {  	s9 =	smul.u32 $0xF7A, s1;
	s8 =	simm.s32 @!p0 $0x1BF5;
	p2 =	por !p2, p0  }
0x20: {  	[sflag:s8] =	ssyncset.s32 @!p0 $0xFFFFF086;
	s6 =	sadd.s32 @!p0 s3, s7;
	s7 =	simm.s32 @!p0 $0x108  }
0x21: {  	s3 =	sadd.s32 s3, s9;
	s6 =	sadd.s32 @!p0 $0x88, s6;
	s7 =	simm.s32 @p2 $0x1082  }
0x22: {  	[simem:s7], [sflag:s8] =	dma.local @!p0 [hbm:s6], $0xF7A  }
0x23: {  	s9 =	sor.u32 $0xD0000000, s2;
	s6 =	simm.s32 $0x108;
	_ =	swait.ge @!p0 [sflag:s8], $0x0  }
0x24: {  	s3 =	sadd.s32 $0x88, s3;
	s6 =	simm.s32 @!p1 $0x1082;
	[sflag:s4] =	ssyncset.s32 $0xFFFFF086  }
0x25: {  	[simem:s6], [sflag:s4] =	dma.local [hbm:s3], $0xF7A  }
0x26: {  	[smem:$0x3F92] =	sst s1;
	(tag) =	ssettag s2;
	_ =	strace s9  }
0x27: {  	s1 =	sld [smem:$0x3FA2]  }
0x28: {  	s2 =	sld [smem:$0x3FA3]  }
0x29: {  	s4 =	sld [smem:$0x3FA5]  }
0x2a: {  	p0 =	seq.s32 s5, $0x0;
	s5 =	sld [smem:$0x3FA6]  }
0x2b: {  	s6 =	sld [smem:$0x3FA7]  }
0x2c: {  	s7 =	sld [smem:$0x3FA8]  }
0x2d: {  	s3 =	simm.s32 $0x108;
	s8 =	sld [smem:$0x3FA9]  }
0x2e: {  	s3 =	simm.s32 @!p0 $0x1082;
	s9 =	sld [smem:$0x3FAA]  }
0x2f: {  	lr =	sadd.s32 s0, s3;
	s0 =	sld [smem:$0x3FA1]  }
0x30: {  	s3 =	sld [smem:$0x3FA4]  }
0x31: {  	[smem:$0x3FAD] =	sst s10  }
0x32: {  	s10 =	sld [smem:$0x3FAB];
	_ =	sdelay $0x3  }
0x33: {  	p0 =	seq.s32 s10, $0x1;
	s10 =	sld [smem:$0x3FAD];
	_ =	sdelay $0x3  }
0x34: {  	[smem:$0x3FAD] =	sst s10  }
0x35: {  	s10 =	sld [smem:$0x3FAC];
	_ =	sdelay $0x3  }
0x36: {  	p1 =	seq.s32 s10, $0x1;
	s10 =	sld [smem:$0x3FAD];
	_ =	sdelay $0x3  }
0x37: {  	[smem:$0x3FAD] =	sst s10  }
0x38: {  	s10 =	sld [smem:$0x3FAE]  }
0x39: {  	_ = 	snop;
	(pc) =	sbr.ind lr, $3  }
0x3a: {  	_ = 	snop  }
0x3b: {  	_ = 	snop  }
0x3c: {  	p2 =	seq.s32 s10, $0x1;
	s10 =	sld [smem:$0x3FAD]  }
0x3d: {  	_ =	shalt  }
0x3e: {  	_ =	shalt  }
0x3f: {  	_ =	shalt  }
0x40: {  	_ =	shalt  }
0x41: {  	_ =	shalt  }
0x42: {  	_ =	shalt  }
0x43: {  	_ =	shalt  }
0x44: {  	_ =	shalt  }
0x45: {  	_ =	shalt  }
0x46: {  	_ =	shalt  }
0x47: {  	_ =	shalt  }
0x48: {  	_ =	shalt  }
0x49: {  	_ =	shalt  }
0x4a: {  	_ =	shalt  }
0x4b: {  	_ =	shalt  }
0x4c: {  	_ =	shalt  }
0x4d: {  	_ =	shalt  }
0x4e: {  	_ =	shalt  }
0x4f: {  	_ =	shalt  }
0x50: {  	_ =	shalt  }
0x51: {  	_ =	shalt  }
0x52: {  	_ =	shalt  }
0x53: {  	_ =	shalt  }
0x54: {  	_ =	shalt  }
0x55: {  	_ =	shalt  }
0x56: {  	_ =	shalt  }
0x57: {  	_ =	shalt  }
0x58: {  	_ =	shalt  }
0x59: {  	_ =	shalt  }
0x5a: {  	_ =	shalt  }
0x5b: {  	_ =	shalt  }
0x5c: {  	_ =	shalt  }
0x5d: {  	_ =	shalt  }
0x5e: {  	_ =	shalt  }
0x5f: {  	_ =	shalt  }
0x60: {  	_ =	shalt  }
0x61: {  	_ =	shalt  }
0x62: {  	_ =	shalt  }
0x63: {  	_ =	shalt  }
0x64: {  	_ =	shalt  }
0x65: {  	_ =	shalt  }
0x66: {  	_ =	shalt  }
0x67: {  	_ =	shalt  }
0x68: {  	_ =	shalt  }
0x69: {  	_ =	shalt  }
0x6a: {  	_ =	shalt  }
0x6b: {  	_ =	shalt  }
0x6c: {  	_ =	shalt  }
0x6d: {  	_ =	shalt  }
0x6e: {  	_ =	shalt  }
0x6f: {  	_ =	shalt  }
0x70: {  	_ =	shalt  }
0x71: {  	_ =	shalt  }
0x72: {  	_ =	shalt  }
0x73: {  	_ =	shalt  }
0x74: {  	_ =	shalt  }
0x75: {  	_ =	shalt  }
0x76: {  	_ =	shalt  }
0x77: {  	_ =	shalt  }
0x78: {  	_ =	shalt  }
0x79: {  	_ =	shalt  }
0x7a: {  	_ =	shalt  }
0x7b: {  	_ =	shalt  }
0x7c: {  	_ =	shalt  }
0x7d: {  	_ =	shalt  }
0x7e: {  	_ =	shalt  }
0x7f: {  	_ =	shalt  }
0x80: {  	_ =	shalt  }
0x81: {  	_ =	shalt  }
0x82: {  	_ =	shalt  }
0x83: {  	_ =	shalt  }
0x84: {  	_ =	shalt  }
0x85: {  	_ =	shalt  }
0x86: {  	_ =	shalt  }
0x87: {  	_ =	shalt  }
.Lfunc_end0:
.L_simem_size_0:
called_computation_lowered:
.L_overlay_start_0:
0x88: {  	s2 =	sld [smem:$0x3FD9]  }
0x89: {  	s3 =	sld [smem:$0x3FFE];
	_ =	sdelay $0x1  }
0x8a: {  	s1 =	srdreg.scid  }
0x8b: {  	s0 =	sand.u32 $0x1, s1  }
0x8c: {  	s17 =	sshll.u32 s0, $0xA;
	s2 =	sadd.s32 s3, s2  }
0x8d: {  	s2 =	sadd.s32 s2, s17  }
0x8e: {  	[smem:$0x3FB9] =	sst s2  }
0x8f: {  	_ = 	snop  }
0x90: {  	s2 =	sld [smem:$0x3FD0];
	(tm) =	ssettm $0x1  }
0x91: {  	s18 =	sld [smem:$0x3FFB];
	_ =	sdelay $0x3  }
0x92: {  	_ =	strace s18  }
0x93: {  	s3 =	sld [smem:$0x3FFC];
	_ =	sdelay $0x3  }
0x94: {  	_ =	strace s3  }
0x95: {  	s3 =	sld [smem:$0x3FFD];
	_ =	sdelay $0x3  }
0x96: {  	_ =	strace s3  }
0x97: {  	_ =	strace $0x8FFFFFFF  }
0x98: {  	s19 =	sld [smem:$0x3FDB];
	_ =	sdelay $0x1  }
0x99: {  	s4 =	simm.s32 $_scs_section_size  }
0x9a: {  	s5 =	simm.s32 $_size__tile_overlayer_lowered;
	s6 =	simm.s32 $_tile_overlayer_lowered  }
0x9b: {  	s22 =	simm.s32 $0x1BFF;
	s21 =	sshll.u32 s6, $0x1;
	s3 =	sadd.s32 s4, s19  }
0x9c: {  	s7 =	simm.s32 $0x0;
	s20 =	sshll.u32 s5, $0x1;
	s5 =	sadd.s32 s21, s3  }
0x9d: {  	[timem:s7], [sflag:s22] =	dma.local [hbm:s5], s20  }
0x9e: {  	_ =	swait.ge [sflag:s22], s20  }
0x9f: {  	s4 =	ssub.s32 $0x0, s20;
	[sflag:s22] =	ssyncset.done $0x0  }
0xa0: {  	[sflag:s22] =	ssyncadd.s32 s4;
	_ =	sdelay $0x1  }
0xa1: {  	s23 =	simm.s32 $0x1B8B  }
0xa2: {  	_ =	swait.ge [sflag:s23], $0x1  }
0xa3: {  	[sflag:s23] =	ssyncset.done $0x0  }
0xa4: {  	s25 =	simm.s32 $0x1B8E;
	s24 =	sld [smem:$0x3FFE];
	[sflag:s23] =	ssyncadd.s32 $0xFFFFFFFF  }
0xa5: {  	s26 =	simm.s32 $execute0_lowered;
	[smem:$0x3FD2] =	sst s25  }
0xa6: {  	s5 =	sshll.u32 s26, $0x1;
	_ =	strace $0x80000046;
	[dreg:$0x1] =	wrdreg $0xFFFFFFFF  }
0xa7: {  	s28 =	simm.s32 $_size_execute0_lowered;
	s3 =	sadd.s32 s3, s5;
	[dreg:$0x0] =	wrdreg $0x0  }
0xa8: {  	s5 =	sshll.u32 s28, $0x1;
	[dreg:$0x2] =	wrdreg s3  }
0xa9: {  	[dreg:$0x3] =	wrdreg s5  }
0xaa: {  	[dreg:$0x4] =	wrdreg $0xC0  }
0xab: {  	_ =	task [dreg:s7], $0x5FFFF  }
0xac: {  	[dreg:$0x1] =	wrdreg $0xFFFFFFFF  }
0xad: {  	[dreg:$0x0] =	wrdreg $0x60  }
0xae: {  	[dreg:$0x2] =	wrdreg s2  }
0xaf: {  	[dreg:$0x3] =	wrdreg s24  }
0xb0: {  	[dreg:$0x4] =	wrdreg $0x9  }
0xb1: {  	_ =	task.clear_ibuf [dreg:s7], $0x5FFFF;
	_ =	strace $0x90000046  }
0xb2: {  	s29 =	simm.s32 $0x9;
	_ =	strace $0x80000048  }
0xb3: {  	_ =	swait.ge [sflag:s29], $0x1  }
0xb4: {  	[sflag:s29] =	ssyncadd.s32 $0xFFFFFFFF  }
0xb5: {  	_ =	strace $0x90000048  }
0xb6: {  	_ =	sfence  }
0xb7: {  	s30 =	sld [smem:$0x0];
	_ =	sdelay $0x2  }
0xb8: {  	s31 =	sshll.u32 s1, $0xD;
	s1 =	sshrl.u32 s1, $0x2  }
0xb9: {  	s3 =	sand.u32 $0x4000, s31;
	s1 =	sadd.s32 s1, s30  }
0xba: {  	s0 =	sor.u32 s3, s0;
	s1 =	sshll.u32 s1, $0x11  }
0xbb: {  	s0 =	sor.u32 s1, s0  }
0xbc: {  	s0 =	sadd.s32 $0x8F2B, s0  }
0xbd: {  	[sflag:s0] =	ssyncadd.remote.s32 $0x1  }
0xbe: {  	_ =	sfence.sel $0xFFFF  }
0xbf: {  	[dreg:$0x0] =	wrdreg $0xFFFFFFFF;
	(pc) =	sbr.abs _section_cstart, $3  }
0xc0: {  	[dreg:$0x1] =	wrdreg $0xFFFFFFFF  }
0xc1: {  	_ =	task.clear_ibuf [dreg:s7], $0x2FFFF;
	_ =	strace $0x9FFFFFFF  }
0xc2: {  	(tm) =	ssettm $0x7FFFFFFF  }
0xc3: {  	_ =	shalt  }
tec
execute0_lowered:
.L_overlay_start_1:
0x0: {  	(tag) =	ssettag $0x1  }
0x1: {  	s2 =	rddreg [dreg:$0x0];
	s1 =	srdreg.scid  }
0x2: {  	s0 =	stileid.u32;
	s5 =	rddreg [dreg:$0x1]  }
0x3: {  	s3 =	simm.s32 $0x0;
	s11 =	simm.s32 $0x2800;
	s12 =	simm.s32 $0x80  }
0x4: {  	s13 =	simm.s32 $0x5000;
	s14 =	simm.s32 $0x9000;
	s15 =	simm.s32 $0x1  }
0x5: {  	s16 =	simm.s32 $0x2;
	s17 =	simm.s32 $0x0;
	s6 =	sand.u32 $0x1, s1  }
0x6: {  	s4 =	sshll.u32 s0, $0x1;
	[smem:$0x7FF] =	sst s3;
	s8 =	smul.u32 $0x50000, s0  }
0x7: {  	s4 =	sor.u32 s6, s4;
	s9 =	ssub.s32 $0x2, s6;
	s6 =	smul.u32 $0x28000, s6  }
0x8: {  	s1 =	rddreg [dreg:$0x2];
	_ =	strace $0x80000047;
	s7 =	smul.u32 $0x500, s4  }
0x9: {  	s4 =	sadd.s32 $0x18800, s5;
	s8 =	sadd.s32 s8, s5;
	s31 =	sshrl.u32 s9, $0x1  }
0xa: {  	s9 =	ssub.s32 s9, s31;
	s10 =	sadd.s32 s6, s8;
	s7 =	sadd.s32 s7, s5  }
0xb: {  	s8 =	sadd.s32 $0x53FA00, s10;
	s5 =	sadd.s32 $0xE800, s7;
	s6 =	sadd.s32 $0x4800, s7  }
0xc: {  	s7 =	smax.u32 s9, $0x1;
	s9 =	sadd.s32 $0x3FA00, s10;
	s10 =	simm.s32 $0x3  }
.LBB2_1:
0xd: {  	[tilespmem:s3], [sflag:$0x3] =	stream.linear.gather [hbm4b:s5+s3], $0x2800, $0x38;
	[tilespmem:$0xD000] =	vst v63  }
0xe: {  	_ =	swait.ge [sflag:s10], $0x2800  }
0xf: {  	[sflag:s10] =	ssyncset.done $0x0  }
0x10: {  	[sflag:s10] =	ssyncadd.s32 $0xFFFFD800  }
0x11: {  	[tilespmem:s11], [sflag:$0x3] =	stream.linear.gather [hbm4b:s6+s3], $0x2800, $0x38;
	[tilespmem:$0xD000] =	vst v63  }
0x12: {  	_ =	swait.ge [sflag:s10], $0x2800  }
0x13: {  	[sflag:s10] =	ssyncset.done $0x0  }
0x14: {  	s18 =	simm.s32 $0x0;
	[sflag:s10] =	ssyncadd.s32 $0xFFFFD800  }
0x15: {  	[tilespmem:s13], [sflag:$0x1] =	stream.indirect.gather [hbm4b:s2+s12], $0x80, s18, s12, $0xb8;
	[tilespmem:$0xD000] =	vst v63  }
0x16: {  	s31 =	simm.s32 $0x2800  }
0x17: {  	[tilespmem:s14], [sflag:$0x2] =	stream.indirect.gather [hbm4b:s4+s12], $0x80, s31, s12, $0xb8;
	[tilespmem:$0xD000] =	vst v63  }
0x18: {  	_ =	swait.ge [sflag:s15], $0x4000  }
0x19: {  	[sflag:s15] =	ssyncset.done $0x0  }
0x1a: {  	[sflag:s15] =	ssyncadd.s32 $0xFFFFC000  }
0x1b: {  	_ =	swait.ge [sflag:s16], $0x4000  }
0x1c: {  	[sflag:s16] =	ssyncset.done $0x0  }
0x1d: {  	[sflag:s16] =	ssyncadd.s32 $0xFFFFC000  }
0x1e: {  	[hbm4b:s9+s3] =	stream.linear.scatter [tilespmem:s13], [sflag:$0x3], $0x4000, $0x38;
	[tilespmem:$0xD000] =	vst v63  }
0x1f: {  	_ =	swait.ge [sflag:s10], $0x4000  }
0x20: {  	[sflag:s10] =	ssyncset.done $0x0  }
0x21: {  	[sflag:s10] =	ssyncadd.s32 $0xFFFFC000  }
0x22: {  	[hbm4b:s8+s3] =	stream.linear.scatter [tilespmem:s14], [sflag:$0x3], $0x4000, $0x38;
	[tilespmem:$0xD000] =	vst v63  }
0x23: {  	s20 =	simm.s32 $0x200;
	s21 =	simm.s32 $0x400;
	_ =	swait.ge [sflag:s10], $0x4000  }
0x24: {  	s19 =	sadd.s32 $0x800, s9;
	s18 =	sadd.s32 $0x800, s8;
	[sflag:s10] =	ssyncset.done $0x0  }
.LBB2_2:
0x25: {  	s22 =	sshra.s32 s20, $0x2  }
0x26: {  	[sflag:s10] =	ssyncadd.s32 $0xFFFFC000;
	s20 =	smov.u32 s21;
	s23 =	sadd.s32 $0x200, s21  }
0x27: {  	[tilespmem:s13], [sflag:$0x1] =	stream.indirect.gather [hbm4b:s2+s12], $0x80, s22, s12, $0xb8;
	[tilespmem:$0xD000] =	vst v63  }
0x28: {  	p0 =	sne.s32 s21, $0x9E00;
	s21 =	sadd.s32 $0x2800, s22  }
0x29: {  	[tilespmem:s14], [sflag:$0x2] =	stream.indirect.gather [hbm4b:s4+s12], $0x80, s21, s12, $0xb8;
	[tilespmem:$0xD000] =	vst v63  }
0x2a: {  	_ =	swait.ge [sflag:s15], $0x4000  }
0x2b: {  	[sflag:s15] =	ssyncset.done $0x0  }
0x2c: {  	[sflag:s15] =	ssyncadd.s32 $0xFFFFC000  }
0x2d: {  	_ =	swait.ge [sflag:s16], $0x4000  }
0x2e: {  	[sflag:s16] =	ssyncset.done $0x0  }
0x2f: {  	[sflag:s16] =	ssyncadd.s32 $0xFFFFC000  }
0x30: {  	[hbm4b:s19+s3] =	stream.linear.scatter [tilespmem:s13], [sflag:$0x3], $0x4000, $0x38;
	[tilespmem:$0xD000] =	vst v63  }
0x31: {  	_ =	swait.ge [sflag:s10], $0x4000  }
.Ltmp0:
0x32: {  	[sflag:s10] =	ssyncset.done $0x0;
	(pc) =	sbr.rel @p0 .LBB2_2-.Ltmp0, $4  }
0x33: {  	[sflag:s10] =	ssyncadd.s32 $0xFFFFC000  }
0x34: {  	[hbm4b:s18+s3] =	stream.linear.scatter [tilespmem:s14], [sflag:$0x3], $0x4000, $0x38;
	[tilespmem:$0xD000] =	vst v63  }
0x35: {  	s21 =	smov.u32 s23;
	_ =	swait.ge [sflag:s10], $0x4000  }
0x36: {  	s19 =	sadd.s32 $0x800, s19;
	s18 =	sadd.s32 $0x800, s18;
	[sflag:s10] =	ssyncset.done $0x0  }
0x37: {  	s20 =	sshra.s32 s20, $0x2;
	[sflag:s10] =	ssyncadd.s32 $0xFFFFC000  }
0x38: {  	[tilespmem:s13], [sflag:$0x1] =	stream.indirect.gather [hbm4b:s2+s12], $0x80, s20, s12, $0xb8;
	[tilespmem:$0xD000] =	vst v63  }
0x39: {  	s20 =	sadd.s32 $0x2800, s20  }
0x3a: {  	[tilespmem:s14], [sflag:$0x2] =	stream.indirect.gather [hbm4b:s4+s12], $0x80, s20, s12, $0xb8;
	[tilespmem:$0xD000] =	vst v63  }
0x3b: {  	_ =	swait.ge [sflag:s15], $0x4000  }
0x3c: {  	[sflag:s15] =	ssyncset.done $0x0  }
0x3d: {  	[sflag:s15] =	ssyncadd.s32 $0xFFFFC000  }
0x3e: {  	_ =	swait.ge [sflag:s16], $0x4000  }
0x3f: {  	[sflag:s16] =	ssyncset.done $0x0  }
0x40: {  	[sflag:s16] =	ssyncadd.s32 $0xFFFFC000  }
0x41: {  	[hbm4b:s19+s3] =	stream.linear.scatter [tilespmem:s13], [sflag:$0x3], $0x4000, $0x38;
	[tilespmem:$0xD000] =	vst v63  }
0x42: {  	s17 =	sadd.s32 $0x1, s17;
	_ =	swait.ge [sflag:s10], $0x4000  }
0x43: {  	p0 =	sne.s32 s17, s7;
	[sflag:s10] =	ssyncset.done $0x0  }
.Ltmp1:
0x44: {  	[sflag:s10] =	ssyncadd.s32 $0xFFFFC000;
	(pc) =	sbr.rel @p0 .LBB2_1-.Ltmp1, $4  }
0x45: {  	[hbm4b:s18+s3] =	stream.linear.scatter [tilespmem:s14], [sflag:$0x3], $0x4000, $0x38;
	[tilespmem:$0xD000] =	vst v63  }
0x46: {  	_ =	swait.ge [sflag:s10], $0x4000  }
0x47: {  	[sflag:s10] =	ssyncset.done $0x0  }
0x48: {  	[sflag:s10] =	ssyncadd.s32 $0xFFFFC000  }
0x49: {  	_ =	sfence.sel $0x180000  }
0x4a: {  	[bflag:$0x0] =	sbarrier.arrive $0xFFFF  }
0x4b: {  	p0 =	sne.s32 s0, $0x0;
	_ =	strace $0x90000047  }
0x4c: {  	s0 =	sadd.s32 @!p0 $0x100000, s1;
	[bflag:$0x2] =	sbarrier.arrive $0xFFFF  }
0x4d: {  	[sflag:s0] =	ssyncadd.tile.s32 @!p0 $0x1;
	_ =	shalt  }
.Lfunc_end2:
_tile_overlayer_lowered:
.L_overlay_start_2:
0x4e: {  	(tag) =	ssettag $0x2  }
0x4f: {  	s0 =	rddreg [dreg:$0x0];
	s2 =	stileid.u32  }
0x50: {  	s1 =	rddreg [dreg:$0x1];
	p0 =	sne.s32 s2, $0x0  }
0x51: {  	s3 =	rddreg [dreg:$0x2];
	[bflag:$0x3] =	sbarrier.arrive $0xFFFF;
	s2 =	simm.s32 @!p0 $0x1C03  }
0x52: {  	[timem:s3], [sflag:s2] =	dma.local @!p0 [hbm:s0], s1  }
0x53: {  	s0 =	simm.s32 @!p0 $0x3  }
0x54: {  	_ =	swait.ge @!p0 [sflag:s0], s1  }
0x55: {  	s1 =	ssub.s32 @!p0 $0x0, s1;
	[sflag:s0] =	ssyncset.done @!p0 $0x0  }
0x56: {  	[sflag:s0] =	ssyncadd.s32 @!p0 s1  }
0x57: {  	[bflag:$0x3] =	sbarrier.arrive $0xFFFF  }
0x58: {  	_ =	shalt  }

</sc_bundles>
